<compile_context>
chip_gen: v7x
topology: tpu7x:2x2x1
jax: 0.10.2.dev20260603
libtpu: 0.0.44.dev20260713+nightly
codegen_flags: <defaults>
</compile_context>

<pallas_src>
import jax
import jax.numpy as jnp
from jax import lax
from jax.experimental import pallas as pl
from jax.experimental.pallas import tpu as pltpu
from jax.experimental.pallas import tpu_sc as plsc

N = 10000
E = 320000
D_IN = 128
D_OUT = 128
R = 16
B = 8

NC = 2
NS = 16
NW = NC * NS
CH = 128
EPW = E // NW
PKW = 80
EPWP = PKW * CH
EP = NW * EPWP
NPAD = 10240
RPT = NPAD // NS

NB = 2000


def _transform_body(x_ref, w_ref, wc_ref, h_ref):
    w = w_ref[...].reshape(B, D_IN * D_OUT)
    wc = wc_ref[...]
    big_w = jnp.dot(wc, w, preferred_element_type=jnp.float32)
    big_w = big_w.reshape(R, D_IN, D_OUT)
    xb = x_ref[...]
    for r in range(R):
        h_ref[r] = jnp.dot(xb, big_w[r], preferred_element_type=jnp.float32)


def _combine_body(p_ref, x_ref, lw_ref, b_ref, o_ref):
    loop = jnp.dot(x_ref[...], lw_ref[...], preferred_element_type=jnp.float32)
    o_ref[...] = p_ref[0] + p_ref[1] + loop + b_ref[0]


def _sc_gather_scatter(hflat, gidx, dstidx, partial,
                       gb0, db0, gb1, db1, gb2, db2, gb3, db3,
                       rows0, rows1, acc,
                       si0, si1, si2, si3, sg0, sg1):
    c = lax.axis_index("c")
    s = lax.axis_index("s")
    w = s * NC + c
    row0 = pl.multiple_of(s * RPT, RPT)

    gbufs = (gb0, gb1, gb2, gb3)
    dbufs = (db0, db1, db2, db3)
    isems = (si0, si1, si2, si3)
    rbufs = (rows0, rows1)
    gsems = (sg0, sg1)

    zeros16 = jnp.zeros((16,), jnp.float32)

    def zrow(i, carry):
        for j in range(D_OUT // 16):
            rows0[i, pl.ds(j * 16, 16)] = zeros16
        return carry

    lax.fori_loop(0, CH, zrow, 0)
    for t in range(RPT // CH):
        pltpu.sync_copy(rows0, acc.at[pl.ds(row0 + t * CH, CH)])
    plsc.subcore_barrier()

    ebase = pl.multiple_of(w * EPWP, EPWP)

    def load_idx(k, t):
        off = pl.multiple_of(ebase + k * CH, CH)
        pltpu.make_async_copy(gidx.at[pl.ds(off, CH)], gbufs[t], isems[t]).start()
        pltpu.make_async_copy(dstidx.at[pl.ds(off, CH)], dbufs[t], isems[t]).start()

    def wait_idx(t):
        pltpu.make_async_copy(gidx.at[pl.ds(0, CH)], gbufs[t], isems[t]).wait()
        pltpu.make_async_copy(dstidx.at[pl.ds(0, CH)], dbufs[t], isems[t]).wait()

    def start_gather(t, r):
        pltpu.make_async_copy(hflat.at[gbufs[t]], rbufs[r], gsems[r]).start()

    def wait_gather(r):
        pltpu.make_async_copy(hflat.at[gbufs[0]], rbufs[r], gsems[r]).wait()

    load_idx(0, 0)
    load_idx(1, 1)
    load_idx(2, 2)
    load_idx(3, 3)
    wait_idx(0)
    start_gather(0, 0)
    wait_idx(1)
    start_gather(1, 1)

    def body(j, carry):
        for t in range(4):
            k = 4 * j + t
            wait_gather(t % 2)
            pltpu.sync_copy(rbufs[t % 2], acc.at[dbufs[t]], add=True)

            @pl.when(k < PKW - 4)
            def _():
                load_idx(k + 4, t)

            @pl.when(k < PKW - 2)
            def _():
                wait_idx((t + 2) % 4)
                start_gather((t + 2) % 4, t % 2)

        return carry

    lax.fori_loop(0, PKW // 4, body, 0)
    plsc.subcore_barrier()

    pltpu.sync_copy(acc.at[pl.ds(row0, RPT)], partial.at[c, pl.ds(row0, RPT)])


def kernel(x, edge_index, etypes, weight, w_comp, loop_weight, h_bias):
    src = edge_index[0]
    dst = edge_index[1]
    gidx = etypes * jnp.int32(N) + src

    h_all = pl.pallas_call(
        _transform_body,
        grid=(N // NB,),
        in_specs=[
            pl.BlockSpec((NB, D_IN), lambda i: (i, 0)),
            pl.BlockSpec((B, D_IN, D_OUT), lambda i: (0, 0, 0)),
            pl.BlockSpec((R, B), lambda i: (0, 0)),
        ],
        out_specs=pl.BlockSpec((R, NB, D_OUT), lambda i: (0, i, 0)),
        out_shape=jax.ShapeDtypeStruct((R, N, D_OUT), jnp.float32),
    )(x, weight, w_comp)
    hflat = h_all.reshape(R * N, D_OUT)

    npadedge = EPWP - EPW
    pad_gather = (jnp.arange(NW, dtype=jnp.int32)[:, None] * 4099
                  + jnp.arange(npadedge, dtype=jnp.int32)[None, :] * 17) % (R * N)
    gidx_p = jnp.concatenate([gidx.reshape(NW, EPW), pad_gather], axis=1) \
        .reshape(EP)
    dump_rows = jnp.broadcast_to(jnp.arange(N, N + npadedge, dtype=jnp.int32),
                                 (NW, npadedge))
    dst_p = jnp.concatenate([dst.reshape(NW, EPW), dump_rows], axis=1) \
        .reshape(EP)

    mesh = plsc.VectorSubcoreMesh(
        core_axis_name="c", subcore_axis_name="s", num_cores=NC, num_subcores=NS)
    partial = pl.kernel(
        _sc_gather_scatter,
        out_type=jax.ShapeDtypeStruct((NC, NPAD, D_OUT), jnp.float32),
        mesh=mesh,
        scratch_types=(
            [pltpu.VMEM((CH,), jnp.int32)] * 8
            + [pltpu.VMEM((CH, D_OUT), jnp.float32)] * 2
            + [pltpu.VMEM_SHARED((NPAD, D_OUT), jnp.float32)]
            + [pltpu.SemaphoreType.DMA] * 6
        ),
    )(hflat, gidx_p, dst_p)

    bias8 = jnp.broadcast_to(h_bias, (8, D_OUT))
    out = pl.pallas_call(
        _combine_body,
        grid=(N // NB,),
        in_specs=[
            pl.BlockSpec((NC, NB, D_OUT), lambda i: (0, i, 0)),
            pl.BlockSpec((NB, D_IN), lambda i: (i, 0)),
            pl.BlockSpec((D_IN, D_OUT), lambda i: (0, 0)),
            pl.BlockSpec((8, D_OUT), lambda i: (0, 0)),
        ],
        out_specs=pl.BlockSpec((NB, D_OUT), lambda i: (i, 0)),
        out_shape=jax.ShapeDtypeStruct((N, D_OUT), jnp.float32),
    )(partial, x, loop_weight, bias8)
    return out

# --- scband reference (transcript-rebuilt; emitter-appended) ---
"""Pipeline reference for scband-rel-graph-conv-87634512707600 (READ-ONLY COPY).

The authoritative reference and input builder live on the scoring server;
editing this copy changes nothing except your own understanding.
"""

import jax, jax.numpy as jnp
import numpy as np

N = 10000   # n_nodes
E = 320000  # n_edges
D_IN = 128
D_OUT = 128
R = 16      # num_rels
B = 8       # num_bases


def setup_inputs(seed: int = 0) -> dict:
    key = jax.random.key(seed)
    ks = jax.random.split(key, 8)
    x = jax.random.normal(ks[0], (N, D_IN), dtype=jnp.float32)
    edge_index = jax.random.randint(ks[1], (2, E), 0, N, dtype=jnp.int32)
    etypes = jax.random.randint(ks[2], (E,), 0, R, dtype=jnp.int32)
    # learned parameters (basis regularizer)
    xavier = float(np.sqrt(2.0) * np.sqrt(6.0 / (D_IN + D_OUT)))  # gain=sqrt(2) for relu
    weight = jax.random.uniform(ks[3], (B, D_IN, D_OUT), dtype=jnp.float32,
                                minval=-xavier, maxval=xavier)
    w_comp = jax.random.uniform(ks[4], (R, B), dtype=jnp.float32,
                                minval=-1.0 / np.sqrt(B), maxval=1.0 / np.sqrt(B))
    loop_weight = jax.random.uniform(ks[5], (D_IN, D_OUT), dtype=jnp.float32,
                                     minval=-xavier, maxval=xavier)
    h_bias = jnp.zeros((D_OUT,), dtype=jnp.float32)
    return {"x": x, "edge_index": edge_index, "etypes": etypes,
            "weight": weight, "w_comp": w_comp,
            "loop_weight": loop_weight, "h_bias": h_bias}


def reference(x, edge_index, etypes, weight, w_comp, loop_weight, h_bias):
    # Basis decomposition: W_r = sum_b a_{rb} V_b
    W = jnp.einsum('rb,bio->rio', w_comp, weight)          # [R, D_IN, D_OUT]
    # Precompute every relation's transform of every node (equivalent to W_{etype} h_src per edge)
    h_all = jnp.einsum('ni,rio->nro', x, W)                # [N, R, D_OUT]
    src = edge_index[0]
    dst = edge_index[1]
    # Per-edge message: W_{etype(e)} h_{src(e)}
    msg = h_all[src, etypes]                               # [E, D_OUT]
    # Sum aggregation over incoming edges (norm=None in DGL forward)
    agg = jax.ops.segment_sum(msg, dst, num_segments=x.shape[0])
    # Self-loop + bias (activation=None, dropout=0, layer_norm=False)
    out = agg + x @ loop_weight + h_bias
    return out

if __name__ == "__main__":
    import jax
    _d = setup_inputs()
    print(jax.jit(kernel)(*tuple(_d.values())))

</pallas_src>

<mosaic_0001>
#map = affine_map<(d0, d1) -> (0, 0)>
#map1 = affine_map<(d0, d1) -> (0)>
#map2 = affine_map<(d0, d1) -> (0, 0, 0)>
module attributes {stable_mosaic.version = 14 : i64} {
  func.func @_sc_gather_scatter(%arg0: i32, %arg1: i32, %arg2: memref<160000x128xf32, #tpu.memory_space<hbm>>, %arg3: memref<327680xi32, #tpu.memory_space<hbm>>, %arg4: memref<327680xi32, #tpu.memory_space<hbm>>, %arg5: memref<2x10240x128xf32, #tpu.memory_space<hbm>>, %arg6: memref<128xi32, #tpu.memory_space<vmem>>, %arg7: memref<128xi32, #tpu.memory_space<vmem>>, %arg8: memref<128xi32, #tpu.memory_space<vmem>>, %arg9: memref<128xi32, #tpu.memory_space<vmem>>, %arg10: memref<128xi32, #tpu.memory_space<vmem>>, %arg11: memref<128xi32, #tpu.memory_space<vmem>>, %arg12: memref<128xi32, #tpu.memory_space<vmem>>, %arg13: memref<128xi32, #tpu.memory_space<vmem>>, %arg14: memref<128x128xf32, #tpu.memory_space<vmem>>, %arg15: memref<128x128xf32, #tpu.memory_space<vmem>>, %arg16: memref<10240x128xf32, #tpu.memory_space<vmem_shared>>, %arg17: memref<!tpu.dma_semaphore, #tpu.memory_space<semaphore_mem>>, %arg18: memref<!tpu.dma_semaphore, #tpu.memory_space<semaphore_mem>>, %arg19: memref<!tpu.dma_semaphore, #tpu.memory_space<semaphore_mem>>, %arg20: memref<!tpu.dma_semaphore, #tpu.memory_space<semaphore_mem>>, %arg21: memref<!tpu.dma_semaphore, #tpu.memory_space<semaphore_mem>>, %arg22: memref<!tpu.dma_semaphore, #tpu.memory_space<semaphore_mem>>) attributes {dimension_semantics = [#tpu.dimension_semantics<core_parallel>, #tpu.dimension_semantics<subcore_parallel>], iteration_bounds = array<i64: 2, 16>, scalar_prefetch = 0 : i64, scratch_operands = 17 : i64, tpu.core_type = #tpu.core_type<sc_vector_subcore>, window_params = [{transform_indices = #map}, {transform_indices = #map1}, {transform_indices = #map1}, {transform_indices = #map2}]} {
    %mul3A = arith.constant 2 : i32
    %mul3A_0 = arith.muli %arg1, %mul3A : i32
    %add3A = arith.addi %mul3A_0, %arg0 : i32
    %mul3A_1 = arith.constant 640 : i32
    %mul3A_2 = arith.muli %arg1, %mul3A_1 : i32
    %multiple_of3A = tpu.assume_multiple %mul3A_2, 640 : i32
    %broadcast_in_dim3A = arith.constant 0.000000e+00 : f32
    %broadcast_in_dim3A_3 = vector.broadcast %broadcast_in_dim3A : f32 to vector<16xf32>
    %scan3A = arith.constant 0 : i32
    %scan3A_4 = arith.constant 0 : i32
    %scan3A_5 = arith.constant 128 : i32
    %scan3A_6 = arith.addi %scan3A_4, %scan3A_5 : i32
    %scan3A_7 = arith.constant 1 : i32
    scf.for %scan3A_77 = %scan3A_4 to %scan3A_6 step %scan3A_7  : i32 {
      %swap3A = arith.index_cast %scan3A_77 : i32 to index
      %swap3A_78 = arith.constant 0 : index
      %swap3A_79 = tpu.vector_load %arg14[%swap3A, %swap3A_78] {strides = array<i32>} : memref<128x128xf32, #tpu.memory_space<vmem>>, vector<1x16xf32>,
      %swap3A_80 = vector.shape_cast %swap3A_79 : vector<1x16xf32> to vector<16xf32>
      %swap3A_81 = vector.shape_cast %broadcast_in_dim3A_3 : vector<16xf32> to vector<1x16xf32>
      tpu.vector_store %arg14[%swap3A, %swap3A_78], %swap3A_81 {strides = array<i32>} : memref<128x128xf32, #tpu.memory_space<vmem>>, vector<1x16xf32>,
      %swap3A_82 = arith.index_cast %scan3A_77 : i32 to index
      %swap3A_83 = arith.constant 16 : index
      %swap3A_84 = tpu.vector_load %arg14[%swap3A_82, %swap3A_83] {strides = array<i32>} : memref<128x128xf32, #tpu.memory_space<vmem>>, vector<1x16xf32>,
      %swap3A_85 = vector.shape_cast %swap3A_84 : vector<1x16xf32> to vector<16xf32>
      %swap3A_86 = vector.shape_cast %broadcast_in_dim3A_3 : vector<16xf32> to vector<1x16xf32>
      tpu.vector_store %arg14[%swap3A_82, %swap3A_83], %swap3A_86 {strides = array<i32>} : memref<128x128xf32, #tpu.memory_space<vmem>>, vector<1x16xf32>,
      %swap3A_87 = arith.index_cast %scan3A_77 : i32 to index
      %swap3A_88 = arith.constant 32 : index
      %swap3A_89 = tpu.vector_load %arg14[%swap3A_87, %swap3A_88] {strides = array<i32>} : memref<128x128xf32, #tpu.memory_space<vmem>>, vector<1x16xf32>,
      %swap3A_90 = vector.shape_cast %swap3A_89 : vector<1x16xf32> to vector<16xf32>
      %swap3A_91 = vector.shape_cast %broadcast_in_dim3A_3 : vector<16xf32> to vector<1x16xf32>
      tpu.vector_store %arg14[%swap3A_87, %swap3A_88], %swap3A_91 {strides = array<i32>} : memref<128x128xf32, #tpu.memory_space<vmem>>, vector<1x16xf32>,
      %swap3A_92 = arith.index_cast %scan3A_77 : i32 to index
      %swap3A_93 = arith.constant 48 : index
      %swap3A_94 = tpu.vector_load %arg14[%swap3A_92, %swap3A_93] {strides = array<i32>} : memref<128x128xf32, #tpu.memory_space<vmem>>, vector<1x16xf32>,
      %swap3A_95 = vector.shape_cast %swap3A_94 : vector<1x16xf32> to vector<16xf32>
      %swap3A_96 = vector.shape_cast %broadcast_in_dim3A_3 : vector<16xf32> to vector<1x16xf32>
      tpu.vector_store %arg14[%swap3A_92, %swap3A_93], %swap3A_96 {strides = array<i32>} : memref<128x128xf32, #tpu.memory_space<vmem>>, vector<1x16xf32>,
      %swap3A_97 = arith.index_cast %scan3A_77 : i32 to index
      %swap3A_98 = arith.constant 64 : index
      %swap3A_99 = tpu.vector_load %arg14[%swap3A_97, %swap3A_98] {strides = array<i32>} : memref<128x128xf32, #tpu.memory_space<vmem>>, vector<1x16xf32>,
      %swap3A_100 = vector.shape_cast %swap3A_99 : vector<1x16xf32> to vector<16xf32>
      %swap3A_101 = vector.shape_cast %broadcast_in_dim3A_3 : vector<16xf32> to vector<1x16xf32>
      tpu.vector_store %arg14[%swap3A_97, %swap3A_98], %swap3A_101 {strides = array<i32>} : memref<128x128xf32, #tpu.memory_space<vmem>>, vector<1x16xf32>,
      %swap3A_102 = arith.index_cast %scan3A_77 : i32 to index
      %swap3A_103 = arith.constant 80 : index
      %swap3A_104 = tpu.vector_load %arg14[%swap3A_102, %swap3A_103] {strides = array<i32>} : memref<128x128xf32, #tpu.memory_space<vmem>>, vector<1x16xf32>,
      %swap3A_105 = vector.shape_cast %swap3A_104 : vector<1x16xf32> to vector<16xf32>
      %swap3A_106 = vector.shape_cast %broadcast_in_dim3A_3 : vector<16xf32> to vector<1x16xf32>
      tpu.vector_store %arg14[%swap3A_102, %swap3A_103], %swap3A_106 {strides = array<i32>} : memref<128x128xf32, #tpu.memory_space<vmem>>, vector<1x16xf32>,
      %swap3A_107 = arith.index_cast %scan3A_77 : i32 to index
      %swap3A_108 = arith.constant 96 : index
      %swap3A_109 = tpu.vector_load %arg14[%swap3A_107, %swap3A_108] {strides = array<i32>} : memref<128x128xf32, #tpu.memory_space<vmem>>, vector<1x16xf32>,
      %swap3A_110 = vector.shape_cast %swap3A_109 : vector<1x16xf32> to vector<16xf32>
      %swap3A_111 = vector.shape_cast %broadcast_in_dim3A_3 : vector<16xf32> to vector<1x16xf32>
      tpu.vector_store %arg14[%swap3A_107, %swap3A_108], %swap3A_111 {strides = array<i32>} : memref<128x128xf32, #tpu.memory_space<vmem>>, vector<1x16xf32>,
      %swap3A_112 = arith.index_cast %scan3A_77 : i32 to index
      %swap3A_113 = arith.constant 112 : index
      %swap3A_114 = tpu.vector_load %arg14[%swap3A_112, %swap3A_113] {strides = array<i32>} : memref<128x128xf32, #tpu.memory_space<vmem>>, vector<1x16xf32>,
      %swap3A_115 = vector.shape_cast %swap3A_114 : vector<1x16xf32> to vector<16xf32>
      %swap3A_116 = vector.shape_cast %broadcast_in_dim3A_3 : vector<16xf32> to vector<1x16xf32>
      tpu.vector_store %arg14[%swap3A_112, %swap3A_113], %swap3A_116 {strides = array<i32>} : memref<128x128xf32, #tpu.memory_space<vmem>>, vector<1x16xf32>,
    }
    %scan3A_8 = arith.constant 128 : i32
    %add3A_9 = arith.constant 0 : i32
    %add3A_10 = arith.addi %multiple_of3A, %add3A_9 : i32
    "tpu.region"() ({
      %run_scoped3A = tpu.sem_alloc : memref<!tpu.dma_semaphore, #tpu.memory_space<semaphore_mem>>
      %dma_start3A_77 = arith.constant 0 : i32
      %dma_start3A_78 = tpu.memref_slice %arg16[%add3A_10, %dma_start3A_77] : memref<10240x128xf32, #tpu.memory_space<vmem_shared>> -> memref<128x128xf32, #tpu.memory_space<vmem_shared>>
      %dma_start3A_79 = arith.constant 0 : i32
      %dma_start3A_80 = tpu.memref_slice %arg16[%add3A_10, %dma_start3A_79] : memref<10240x128xf32, #tpu.memory_space<vmem_shared>> -> memref<128x128xf32, #tpu.memory_space<vmem_shared>>
      tpu.enqueue_dma source(%arg14 : memref<128x128xf32, #tpu.memory_space<vmem>>) target(%dma_start3A_80 : memref<128x128xf32, #tpu.memory_space<vmem_shared>>) target_semaphore(%run_scoped3A : memref<!tpu.dma_semaphore, #tpu.memory_space<semaphore_mem>>)
      %dma_wait3A_81 = arith.constant 0 : i32
      %dma_wait3A_82 = tpu.memref_slice %arg16[%add3A_10, %dma_wait3A_81] : memref<10240x128xf32, #tpu.memory_space<vmem_shared>> -> memref<128x128xf32, #tpu.memory_space<vmem_shared>>
      %dma_wait3A_83 = arith.constant 0 : i32
      %dma_wait3A_84 = tpu.memref_slice %arg16[%add3A_10, %dma_wait3A_83] : memref<10240x128xf32, #tpu.memory_space<vmem_shared>> -> memref<128x128xf32, #tpu.memory_space<vmem_shared>>
      tpu.wait_dma2 semaphore(%run_scoped3A : memref<!tpu.dma_semaphore, #tpu.memory_space<semaphore_mem>>) src(%arg14 : memref<128x128xf32, #tpu.memory_space<vmem>>) dst(%dma_wait3A_84 : memref<128x128xf32, #tpu.memory_space<vmem_shared>>)
      tpu.yield
    }) : () -> ()
    %add3A_11 = arith.constant 128 : i32
    %add3A_12 = arith.addi %multiple_of3A, %add3A_11 : i32
    "tpu.region"() ({
      %run_scoped3A = tpu.sem_alloc : memref<!tpu.dma_semaphore, #tpu.memory_space<semaphore_mem>>
      %dma_start3A_77 = arith.constant 0 : i32
      %dma_start3A_78 = tpu.memref_slice %arg16[%add3A_12, %dma_start3A_77] : memref<10240x128xf32, #tpu.memory_space<vmem_shared>> -> memref<128x128xf32, #tpu.memory_space<vmem_shared>>
      %dma_start3A_79 = arith.constant 0 : i32
      %dma_start3A_80 = tpu.memref_slice %arg16[%add3A_12, %dma_start3A_79] : memref<10240x128xf32, #tpu.memory_space<vmem_shared>> -> memref<128x128xf32, #tpu.memory_space<vmem_shared>>
      tpu.enqueue_dma source(%arg14 : memref<128x128xf32, #tpu.memory_space<vmem>>) target(%dma_start3A_80 : memref<128x128xf32, #tpu.memory_space<vmem_shared>>) target_semaphore(%run_scoped3A : memref<!tpu.dma_semaphore, #tpu.memory_space<semaphore_mem>>)
      %dma_wait3A_81 = arith.constant 0 : i32
      %dma_wait3A_82 = tpu.memref_slice %arg16[%add3A_12, %dma_wait3A_81] : memref<10240x128xf32, #tpu.memory_space<vmem_shared>> -> memref<128x128xf32, #tpu.memory_space<vmem_shared>>
      %dma_wait3A_83 = arith.constant 0 : i32
      %dma_wait3A_84 = tpu.memref_slice %arg16[%add3A_12, %dma_wait3A_83] : memref<10240x128xf32, #tpu.memory_space<vmem_shared>> -> memref<128x128xf32, #tpu.memory_space<vmem_shared>>
      tpu.wait_dma2 semaphore(%run_scoped3A : memref<!tpu.dma_semaphore, #tpu.memory_space<semaphore_mem>>) src(%arg14 : memref<128x128xf32, #tpu.memory_space<vmem>>) dst(%dma_wait3A_84 : memref<128x128xf32, #tpu.memory_space<vmem_shared>>)
      tpu.yield
    }) : () -> ()
    %add3A_13 = arith.constant 256 : i32
    %add3A_14 = arith.addi %multiple_of3A, %add3A_13 : i32
    "tpu.region"() ({
      %run_scoped3A = tpu.sem_alloc : memref<!tpu.dma_semaphore, #tpu.memory_space<semaphore_mem>>
      %dma_start3A_77 = arith.constant 0 : i32
      %dma_start3A_78 = tpu.memref_slice %arg16[%add3A_14, %dma_start3A_77] : memref<10240x128xf32, #tpu.memory_space<vmem_shared>> -> memref<128x128xf32, #tpu.memory_space<vmem_shared>>
      %dma_start3A_79 = arith.constant 0 : i32
      %dma_start3A_80 = tpu.memref_slice %arg16[%add3A_14, %dma_start3A_79] : memref<10240x128xf32, #tpu.memory_space<vmem_shared>> -> memref<128x128xf32, #tpu.memory_space<vmem_shared>>
      tpu.enqueue_dma source(%arg14 : memref<128x128xf32, #tpu.memory_space<vmem>>) target(%dma_start3A_80 : memref<128x128xf32, #tpu.memory_space<vmem_shared>>) target_semaphore(%run_scoped3A : memref<!tpu.dma_semaphore, #tpu.memory_space<semaphore_mem>>)
      %dma_wait3A_81 = arith.constant 0 : i32
      %dma_wait3A_82 = tpu.memref_slice %arg16[%add3A_14, %dma_wait3A_81] : memref<10240x128xf32, #tpu.memory_space<vmem_shared>> -> memref<128x128xf32, #tpu.memory_space<vmem_shared>>
      %dma_wait3A_83 = arith.constant 0 : i32
      %dma_wait3A_84 = tpu.memref_slice %arg16[%add3A_14, %dma_wait3A_83] : memref<10240x128xf32, #tpu.memory_space<vmem_shared>> -> memref<128x128xf32, #tpu.memory_space<vmem_shared>>
      tpu.wait_dma2 semaphore(%run_scoped3A : memref<!tpu.dma_semaphore, #tpu.memory_space<semaphore_mem>>) src(%arg14 : memref<128x128xf32, #tpu.memory_space<vmem>>) dst(%dma_wait3A_84 : memref<128x128xf32, #tpu.memory_space<vmem_shared>>)
      tpu.yield
    }) : () -> ()
    %add3A_15 = arith.constant 384 : i32
    %add3A_16 = arith.addi %multiple_of3A, %add3A_15 : i32
    "tpu.region"() ({
      %run_scoped3A = tpu.sem_alloc : memref<!tpu.dma_semaphore, #tpu.memory_space<semaphore_mem>>
      %dma_start3A_77 = arith.constant 0 : i32
      %dma_start3A_78 = tpu.memref_slice %arg16[%add3A_16, %dma_start3A_77] : memref<10240x128xf32, #tpu.memory_space<vmem_shared>> -> memref<128x128xf32, #tpu.memory_space<vmem_shared>>
      %dma_start3A_79 = arith.constant 0 : i32
      %dma_start3A_80 = tpu.memref_slice %arg16[%add3A_16, %dma_start3A_79] : memref<10240x128xf32, #tpu.memory_space<vmem_shared>> -> memref<128x128xf32, #tpu.memory_space<vmem_shared>>
      tpu.enqueue_dma source(%arg14 : memref<128x128xf32, #tpu.memory_space<vmem>>) target(%dma_start3A_80 : memref<128x128xf32, #tpu.memory_space<vmem_shared>>) target_semaphore(%run_scoped3A : memref<!tpu.dma_semaphore, #tpu.memory_space<semaphore_mem>>)
      %dma_wait3A_81 = arith.constant 0 : i32
      %dma_wait3A_82 = tpu.memref_slice %arg16[%add3A_16, %dma_wait3A_81] : memref<10240x128xf32, #tpu.memory_space<vmem_shared>> -> memref<128x128xf32, #tpu.memory_space<vmem_shared>>
      %dma_wait3A_83 = arith.constant 0 : i32
      %dma_wait3A_84 = tpu.memref_slice %arg16[%add3A_16, %dma_wait3A_83] : memref<10240x128xf32, #tpu.memory_space<vmem_shared>> -> memref<128x128xf32, #tpu.memory_space<vmem_shared>>
      tpu.wait_dma2 semaphore(%run_scoped3A : memref<!tpu.dma_semaphore, #tpu.memory_space<semaphore_mem>>) src(%arg14 : memref<128x128xf32, #tpu.memory_space<vmem>>) dst(%dma_wait3A_84 : memref<128x128xf32, #tpu.memory_space<vmem_shared>>)
      tpu.yield
    }) : () -> ()
    %add3A_17 = arith.constant 512 : i32
    %add3A_18 = arith.addi %multiple_of3A, %add3A_17 : i32
    "tpu.region"() ({
      %run_scoped3A = tpu.sem_alloc : memref<!tpu.dma_semaphore, #tpu.memory_space<semaphore_mem>>
      %dma_start3A_77 = arith.constant 0 : i32
      %dma_start3A_78 = tpu.memref_slice %arg16[%add3A_18, %dma_start3A_77] : memref<10240x128xf32, #tpu.memory_space<vmem_shared>> -> memref<128x128xf32, #tpu.memory_space<vmem_shared>>
      %dma_start3A_79 = arith.constant 0 : i32
      %dma_start3A_80 = tpu.memref_slice %arg16[%add3A_18, %dma_start3A_79] : memref<10240x128xf32, #tpu.memory_space<vmem_shared>> -> memref<128x128xf32, #tpu.memory_space<vmem_shared>>
      tpu.enqueue_dma source(%arg14 : memref<128x128xf32, #tpu.memory_space<vmem>>) target(%dma_start3A_80 : memref<128x128xf32, #tpu.memory_space<vmem_shared>>) target_semaphore(%run_scoped3A : memref<!tpu.dma_semaphore, #tpu.memory_space<semaphore_mem>>)
      %dma_wait3A_81 = arith.constant 0 : i32
      %dma_wait3A_82 = tpu.memref_slice %arg16[%add3A_18, %dma_wait3A_81] : memref<10240x128xf32, #tpu.memory_space<vmem_shared>> -> memref<128x128xf32, #tpu.memory_space<vmem_shared>>
      %dma_wait3A_83 = arith.constant 0 : i32
      %dma_wait3A_84 = tpu.memref_slice %arg16[%add3A_18, %dma_wait3A_83] : memref<10240x128xf32, #tpu.memory_space<vmem_shared>> -> memref<128x128xf32, #tpu.memory_space<vmem_shared>>
      tpu.wait_dma2 semaphore(%run_scoped3A : memref<!tpu.dma_semaphore, #tpu.memory_space<semaphore_mem>>) src(%arg14 : memref<128x128xf32, #tpu.memory_space<vmem>>) dst(%dma_wait3A_84 : memref<128x128xf32, #tpu.memory_space<vmem_shared>>)
      tpu.yield
    }) : () -> ()
    %barrier3A = arith.constant 0 : index
    tpu.barrier barrier_id(%barrier3A)
    %mul3A_19 = arith.constant 10240 : i32
    %mul3A_20 = arith.muli %add3A, %mul3A_19 : i32
    %multiple_of3A_21 = tpu.assume_multiple %mul3A_20, 10240 : i32
    %add3A_22 = arith.constant 0 : i32
    %add3A_23 = arith.addi %multiple_of3A_21, %add3A_22 : i32
    %multiple_of3A_24 = tpu.assume_multiple %add3A_23, 128 : i32
    %dma_start3A = tpu.memref_slice %arg3[%multiple_of3A_24] : memref<327680xi32, #tpu.memory_space<hbm>> -> memref<128xi32, #tpu.memory_space<hbm>>
    %dma_start3A_25 = tpu.memref_slice %arg3[%multiple_of3A_24] : memref<327680xi32, #tpu.memory_space<hbm>> -> memref<128xi32, #tpu.memory_space<hbm>>
    tpu.enqueue_dma source(%dma_start3A_25 : memref<128xi32, #tpu.memory_space<hbm>>) target(%arg6 : memref<128xi32, #tpu.memory_space<vmem>>) target_semaphore(%arg17 : memref<!tpu.dma_semaphore, #tpu.memory_space<semaphore_mem>>)
    %dma_start3A_26 = tpu.memref_slice %arg4[%multiple_of3A_24] : memref<327680xi32, #tpu.memory_space<hbm>> -> memref<128xi32, #tpu.memory_space<hbm>>
    %dma_start3A_27 = tpu.memref_slice %arg4[%multiple_of3A_24] : memref<327680xi32, #tpu.memory_space<hbm>> -> memref<128xi32, #tpu.memory_space<hbm>>
    tpu.enqueue_dma source(%dma_start3A_27 : memref<128xi32, #tpu.memory_space<hbm>>) target(%arg7 : memref<128xi32, #tpu.memory_space<vmem>>) target_semaphore(%arg17 : memref<!tpu.dma_semaphore, #tpu.memory_space<semaphore_mem>>)
    %add3A_28 = arith.constant 128 : i32
    %add3A_29 = arith.addi %multiple_of3A_21, %add3A_28 : i32
    %multiple_of3A_30 = tpu.assume_multiple %add3A_29, 128 : i32
    %dma_start3A_31 = tpu.memref_slice %arg3[%multiple_of3A_30] : memref<327680xi32, #tpu.memory_space<hbm>> -> memref<128xi32, #tpu.memory_space<hbm>>
    %dma_start3A_32 = tpu.memref_slice %arg3[%multiple_of3A_30] : memref<327680xi32, #tpu.memory_space<hbm>> -> memref<128xi32, #tpu.memory_space<hbm>>
    tpu.enqueue_dma source(%dma_start3A_32 : memref<128xi32, #tpu.memory_space<hbm>>) target(%arg8 : memref<128xi32, #tpu.memory_space<vmem>>) target_semaphore(%arg18 : memref<!tpu.dma_semaphore, #tpu.memory_space<semaphore_mem>>)
    %dma_start3A_33 = tpu.memref_slice %arg4[%multiple_of3A_30] : memref<327680xi32, #tpu.memory_space<hbm>> -> memref<128xi32, #tpu.memory_space<hbm>>
    %dma_start3A_34 = tpu.memref_slice %arg4[%multiple_of3A_30] : memref<327680xi32, #tpu.memory_space<hbm>> -> memref<128xi32, #tpu.memory_space<hbm>>
    tpu.enqueue_dma source(%dma_start3A_34 : memref<128xi32, #tpu.memory_space<hbm>>) target(%arg9 : memref<128xi32, #tpu.memory_space<vmem>>) target_semaphore(%arg18 : memref<!tpu.dma_semaphore, #tpu.memory_space<semaphore_mem>>)
    %add3A_35 = arith.constant 256 : i32
    %add3A_36 = arith.addi %multiple_of3A_21, %add3A_35 : i32
    %multiple_of3A_37 = tpu.assume_multiple %add3A_36, 128 : i32
    %dma_start3A_38 = tpu.memref_slice %arg3[%multiple_of3A_37] : memref<327680xi32, #tpu.memory_space<hbm>> -> memref<128xi32, #tpu.memory_space<hbm>>
    %dma_start3A_39 = tpu.memref_slice %arg3[%multiple_of3A_37] : memref<327680xi32, #tpu.memory_space<hbm>> -> memref<128xi32, #tpu.memory_space<hbm>>
    tpu.enqueue_dma source(%dma_start3A_39 : memref<128xi32, #tpu.memory_space<hbm>>) target(%arg10 : memref<128xi32, #tpu.memory_space<vmem>>) target_semaphore(%arg19 : memref<!tpu.dma_semaphore, #tpu.memory_space<semaphore_mem>>)
    %dma_start3A_40 = tpu.memref_slice %arg4[%multiple_of3A_37] : memref<327680xi32, #tpu.memory_space<hbm>> -> memref<128xi32, #tpu.memory_space<hbm>>
    %dma_start3A_41 = tpu.memref_slice %arg4[%multiple_of3A_37] : memref<327680xi32, #tpu.memory_space<hbm>> -> memref<128xi32, #tpu.memory_space<hbm>>
    tpu.enqueue_dma source(%dma_start3A_41 : memref<128xi32, #tpu.memory_space<hbm>>) target(%arg11 : memref<128xi32, #tpu.memory_space<vmem>>) target_semaphore(%arg19 : memref<!tpu.dma_semaphore, #tpu.memory_space<semaphore_mem>>)
    %add3A_42 = arith.constant 384 : i32
    %add3A_43 = arith.addi %multiple_of3A_21, %add3A_42 : i32
    %multiple_of3A_44 = tpu.assume_multiple %add3A_43, 128 : i32
    %dma_start3A_45 = tpu.memref_slice %arg3[%multiple_of3A_44] : memref<327680xi32, #tpu.memory_space<hbm>> -> memref<128xi32, #tpu.memory_space<hbm>>
    %dma_start3A_46 = tpu.memref_slice %arg3[%multiple_of3A_44] : memref<327680xi32, #tpu.memory_space<hbm>> -> memref<128xi32, #tpu.memory_space<hbm>>
    tpu.enqueue_dma source(%dma_start3A_46 : memref<128xi32, #tpu.memory_space<hbm>>) target(%arg12 : memref<128xi32, #tpu.memory_space<vmem>>) target_semaphore(%arg20 : memref<!tpu.dma_semaphore, #tpu.memory_space<semaphore_mem>>)
    %dma_start3A_47 = tpu.memref_slice %arg4[%multiple_of3A_44] : memref<327680xi32, #tpu.memory_space<hbm>> -> memref<128xi32, #tpu.memory_space<hbm>>
    %dma_start3A_48 = tpu.memref_slice %arg4[%multiple_of3A_44] : memref<327680xi32, #tpu.memory_space<hbm>> -> memref<128xi32, #tpu.memory_space<hbm>>
    tpu.enqueue_dma source(%dma_start3A_48 : memref<128xi32, #tpu.memory_space<hbm>>) target(%arg13 : memref<128xi32, #tpu.memory_space<vmem>>) target_semaphore(%arg20 : memref<!tpu.dma_semaphore, #tpu.memory_space<semaphore_mem>>)
    %dma_wait3A = arith.constant 0 : i32
    %dma_wait3A_49 = tpu.memref_slice %arg3[%dma_wait3A] : memref<327680xi32, #tpu.memory_space<hbm>> -> memref<128xi32, #tpu.memory_space<hbm>>
    %dma_wait3A_50 = arith.constant 0 : i32
    %dma_wait3A_51 = tpu.memref_slice %arg3[%dma_wait3A_50] : memref<327680xi32, #tpu.memory_space<hbm>> -> memref<128xi32, #tpu.memory_space<hbm>>
    tpu.wait_dma2 semaphore(%arg17 : memref<!tpu.dma_semaphore, #tpu.memory_space<semaphore_mem>>) src(%dma_wait3A_51 : memref<128xi32, #tpu.memory_space<hbm>>) dst(%arg6 : memref<128xi32, #tpu.memory_space<vmem>>)
    %dma_wait3A_52 = arith.constant 0 : i32
    %dma_wait3A_53 = tpu.memref_slice %arg4[%dma_wait3A_52] : memref<327680xi32, #tpu.memory_space<hbm>> -> memref<128xi32, #tpu.memory_space<hbm>>
    %dma_wait3A_54 = arith.constant 0 : i32
    %dma_wait3A_55 = tpu.memref_slice %arg4[%dma_wait3A_54] : memref<327680xi32, #tpu.memory_space<hbm>> -> memref<128xi32, #tpu.memory_space<hbm>>
    tpu.wait_dma2 semaphore(%arg17 : memref<!tpu.dma_semaphore, #tpu.memory_space<semaphore_mem>>) src(%dma_wait3A_55 : memref<128xi32, #tpu.memory_space<hbm>>) dst(%arg7 : memref<128xi32, #tpu.memory_space<vmem>>)
    %dma_start3A_56 = arith.constant 0 : i32
    %dma_start3A_57 = arith.constant 0 : i32
    %dma_start3A_58 = tpu.memref_slice %arg2[%dma_start3A_56, %dma_start3A_57] : memref<160000x128xf32, #tpu.memory_space<hbm>> -> memref<160000x128xf32, #tpu.memory_space<hbm>>
    tpu.enqueue_indirect_dma source(%dma_start3A_58 : memref<160000x128xf32, #tpu.memory_space<hbm>>) target(%arg14 : memref<128x128xf32, #tpu.memory_space<vmem>>) offsets(%arg6 : memref<128xi32, #tpu.memory_space<vmem>>) semaphore(%arg21 : memref<!tpu.dma_semaphore, #tpu.memory_space<semaphore_mem>>)
    %dma_wait3A_59 = arith.constant 0 : i32
    %dma_wait3A_60 = tpu.memref_slice %arg3[%dma_wait3A_59] : memref<327680xi32, #tpu.memory_space<hbm>> -> memref<128xi32, #tpu.memory_space<hbm>>
    %dma_wait3A_61 = arith.constant 0 : i32
    %dma_wait3A_62 = tpu.memref_slice %arg3[%dma_wait3A_61] : memref<327680xi32, #tpu.memory_space<hbm>> -> memref<128xi32, #tpu.memory_space<hbm>>
    tpu.wait_dma2 semaphore(%arg18 : memref<!tpu.dma_semaphore, #tpu.memory_space<semaphore_mem>>) src(%dma_wait3A_62 : memref<128xi32, #tpu.memory_space<hbm>>) dst(%arg8 : memref<128xi32, #tpu.memory_space<vmem>>)
    %dma_wait3A_63 = arith.constant 0 : i32
    %dma_wait3A_64 = tpu.memref_slice %arg4[%dma_wait3A_63] : memref<327680xi32, #tpu.memory_space<hbm>> -> memref<128xi32, #tpu.memory_space<hbm>>
    %dma_wait3A_65 = arith.constant 0 : i32
    %dma_wait3A_66 = tpu.memref_slice %arg4[%dma_wait3A_65] : memref<327680xi32, #tpu.memory_space<hbm>> -> memref<128xi32, #tpu.memory_space<hbm>>
    tpu.wait_dma2 semaphore(%arg18 : memref<!tpu.dma_semaphore, #tpu.memory_space<semaphore_mem>>) src(%dma_wait3A_66 : memref<128xi32, #tpu.memory_space<hbm>>) dst(%arg9 : memref<128xi32, #tpu.memory_space<vmem>>)
    %dma_start3A_67 = arith.constant 0 : i32
    %dma_start3A_68 = arith.constant 0 : i32
    %dma_start3A_69 = tpu.memref_slice %arg2[%dma_start3A_67, %dma_start3A_68] : memref<160000x128xf32, #tpu.memory_space<hbm>> -> memref<160000x128xf32, #tpu.memory_space<hbm>>
    tpu.enqueue_indirect_dma source(%dma_start3A_69 : memref<160000x128xf32, #tpu.memory_space<hbm>>) target(%arg15 : memref<128x128xf32, #tpu.memory_space<vmem>>) offsets(%arg8 : memref<128xi32, #tpu.memory_space<vmem>>) semaphore(%arg22 : memref<!tpu.dma_semaphore, #tpu.memory_space<semaphore_mem>>)
    %scan3A_70 = arith.constant 0 : i32
    %scan3A_71 = arith.constant 0 : i32
    %scan3A_72 = arith.constant 20 : i32
    %scan3A_73 = arith.addi %scan3A_71, %scan3A_72 : i32
    %scan3A_74 = arith.constant 1 : i32
    scf.for %scan3A_77 = %scan3A_71 to %scan3A_73 step %scan3A_74  : i32 {
      %mul3A_78 = arith.constant 4 : i32
      %mul3A_79 = arith.muli %mul3A_78, %scan3A_77 : i32
      %add3A_80 = arith.constant 0 : i32
      %add3A_81 = arith.addi %mul3A_79, %add3A_80 : i32
      %dma_wait3A_82 = arith.constant 0 : i32
      %dma_wait3A_83 = arith.constant 0 : i32
      %dma_wait3A_84 = tpu.memref_slice %arg2[%dma_wait3A_82, %dma_wait3A_83] : memref<160000x128xf32, #tpu.memory_space<hbm>> -> memref<160000x128xf32, #tpu.memory_space<hbm>>
      tpu.wait_indirect_dma semaphore(%arg21 : memref<!tpu.dma_semaphore, #tpu.memory_space<semaphore_mem>>) src(%dma_wait3A_84 : memref<160000x128xf32, #tpu.memory_space<hbm>>) dst(%arg14 : memref<128x128xf32, #tpu.memory_space<vmem>>)
      "tpu.region"() ({
        %run_scoped3A = tpu.sem_alloc : memref<!tpu.dma_semaphore, #tpu.memory_space<semaphore_mem>>
        %dma_start3A_143 = arith.constant 0 : i32
        %dma_start3A_144 = arith.constant 0 : i32
        %dma_start3A_145 = tpu.memref_slice %arg16[%dma_start3A_143, %dma_start3A_144] : memref<10240x128xf32, #tpu.memory_space<vmem_shared>> -> memref<10240x128xf32, #tpu.memory_space<vmem_shared>>
        tpu.enqueue_indirect_dma source(%arg14 : memref<128x128xf32, #tpu.memory_space<vmem>>) target(%dma_start3A_145 : memref<10240x128xf32, #tpu.memory_space<vmem_shared>>) offsets(%arg7 : memref<128xi32, #tpu.memory_space<vmem>>) semaphore(%run_scoped3A : memref<!tpu.dma_semaphore, #tpu.memory_space<semaphore_mem>>) {add = true}
        %dma_wait3A_146 = arith.constant 0 : i32
        %dma_wait3A_147 = arith.constant 0 : i32
        %dma_wait3A_148 = tpu.memref_slice %arg16[%dma_wait3A_146, %dma_wait3A_147] : memref<10240x128xf32, #tpu.memory_space<vmem_shared>> -> memref<10240x128xf32, #tpu.memory_space<vmem_shared>>
        tpu.wait_indirect_dma semaphore(%run_scoped3A : memref<!tpu.dma_semaphore, #tpu.memory_space<semaphore_mem>>) src(%arg14 : memref<128x128xf32, #tpu.memory_space<vmem>>) dst(%dma_wait3A_148 : memref<10240x128xf32, #tpu.memory_space<vmem_shared>>)
        tpu.yield
      }) : () -> ()
      %lt3A = arith.constant 76 : i32
      %lt3A_85 = arith.cmpi slt, %add3A_81, %lt3A : i32
      %convert_element_type3A = arith.extui %lt3A_85 : i1 to i32
      %cond3A = arith.constant 0 : i32
      %cond3A_86 = arith.cmpi ne, %convert_element_type3A, %cond3A : i32
      scf.if %cond3A_86 {
        %add3A_143 = arith.constant 4 : i32
        %add3A_144 = arith.addi %add3A_81, %add3A_143 : i32
        %mul3A_145 = arith.constant 128 : i32
        %mul3A_146 = arith.muli %add3A_144, %mul3A_145 : i32
        %add3A_147 = arith.addi %multiple_of3A_21, %mul3A_146 : i32
        %multiple_of3A_148 = tpu.assume_multiple %add3A_147, 128 : i32
        %dma_start3A_149 = tpu.memref_slice %arg3[%multiple_of3A_148] : memref<327680xi32, #tpu.memory_space<hbm>> -> memref<128xi32, #tpu.memory_space<hbm>>
        %dma_start3A_150 = tpu.memref_slice %arg3[%multiple_of3A_148] : memref<327680xi32, #tpu.memory_space<hbm>> -> memref<128xi32, #tpu.memory_space<hbm>>
        tpu.enqueue_dma source(%dma_start3A_150 : memref<128xi32, #tpu.memory_space<hbm>>) target(%arg6 : memref<128xi32, #tpu.memory_space<vmem>>) target_semaphore(%arg17 : memref<!tpu.dma_semaphore, #tpu.memory_space<semaphore_mem>>)
        %dma_start3A_151 = tpu.memref_slice %arg4[%multiple_of3A_148] : memref<327680xi32, #tpu.memory_space<hbm>> -> memref<128xi32, #tpu.memory_space<hbm>>
        %dma_start3A_152 = tpu.memref_slice %arg4[%multiple_of3A_148] : memref<327680xi32, #tpu.memory_space<hbm>> -> memref<128xi32, #tpu.memory_space<hbm>>
        tpu.enqueue_dma source(%dma_start3A_152 : memref<128xi32, #tpu.memory_space<hbm>>) target(%arg7 : memref<128xi32, #tpu.memory_space<vmem>>) target_semaphore(%arg17 : memref<!tpu.dma_semaphore, #tpu.memory_space<semaphore_mem>>)
      } else {
      }
      %lt3A_87 = arith.constant 78 : i32
      %lt3A_88 = arith.cmpi slt, %add3A_81, %lt3A_87 : i32
      %convert_element_type3A_89 = arith.extui %lt3A_88 : i1 to i32
      %cond3A_90 = arith.constant 0 : i32
      %cond3A_91 = arith.cmpi ne, %convert_element_type3A_89, %cond3A_90 : i32
      scf.if %cond3A_91 {
        %dma_wait3A_143 = arith.constant 0 : i32
        %dma_wait3A_144 = tpu.memref_slice %arg3[%dma_wait3A_143] : memref<327680xi32, #tpu.memory_space<hbm>> -> memref<128xi32, #tpu.memory_space<hbm>>
        %dma_wait3A_145 = arith.constant 0 : i32
        %dma_wait3A_146 = tpu.memref_slice %arg3[%dma_wait3A_145] : memref<327680xi32, #tpu.memory_space<hbm>> -> memref<128xi32, #tpu.memory_space<hbm>>
        tpu.wait_dma2 semaphore(%arg19 : memref<!tpu.dma_semaphore, #tpu.memory_space<semaphore_mem>>) src(%dma_wait3A_146 : memref<128xi32, #tpu.memory_space<hbm>>) dst(%arg10 : memref<128xi32, #tpu.memory_space<vmem>>)
        %dma_wait3A_147 = arith.constant 0 : i32
        %dma_wait3A_148 = tpu.memref_slice %arg4[%dma_wait3A_147] : memref<327680xi32, #tpu.memory_space<hbm>> -> memref<128xi32, #tpu.memory_space<hbm>>
        %dma_wait3A_149 = arith.constant 0 : i32
        %dma_wait3A_150 = tpu.memref_slice %arg4[%dma_wait3A_149] : memref<327680xi32, #tpu.memory_space<hbm>> -> memref<128xi32, #tpu.memory_space<hbm>>
        tpu.wait_dma2 semaphore(%arg19 : memref<!tpu.dma_semaphore, #tpu.memory_space<semaphore_mem>>) src(%dma_wait3A_150 : memref<128xi32, #tpu.memory_space<hbm>>) dst(%arg11 : memref<128xi32, #tpu.memory_space<vmem>>)
        %dma_start3A_151 = arith.constant 0 : i32
        %dma_start3A_152 = arith.constant 0 : i32
        %dma_start3A_153 = tpu.memref_slice %arg2[%dma_start3A_151, %dma_start3A_152] : memref<160000x128xf32, #tpu.memory_space<hbm>> -> memref<160000x128xf32, #tpu.memory_space<hbm>>
        tpu.enqueue_indirect_dma source(%dma_start3A_153 : memref<160000x128xf32, #tpu.memory_space<hbm>>) target(%arg14 : memref<128x128xf32, #tpu.memory_space<vmem>>) offsets(%arg10 : memref<128xi32, #tpu.memory_space<vmem>>) semaphore(%arg21 : memref<!tpu.dma_semaphore, #tpu.memory_space<semaphore_mem>>)
      } else {
      }
      %mul3A_92 = arith.constant 4 : i32
      %mul3A_93 = arith.muli %mul3A_92, %scan3A_77 : i32
      %add3A_94 = arith.constant 1 : i32
      %add3A_95 = arith.addi %mul3A_93, %add3A_94 : i32
      %dma_wait3A_96 = arith.constant 0 : i32
      %dma_wait3A_97 = arith.constant 0 : i32
      %dma_wait3A_98 = tpu.memref_slice %arg2[%dma_wait3A_96, %dma_wait3A_97] : memref<160000x128xf32, #tpu.memory_space<hbm>> -> memref<160000x128xf32, #tpu.memory_space<hbm>>
      tpu.wait_indirect_dma semaphore(%arg22 : memref<!tpu.dma_semaphore, #tpu.memory_space<semaphore_mem>>) src(%dma_wait3A_98 : memref<160000x128xf32, #tpu.memory_space<hbm>>) dst(%arg15 : memref<128x128xf32, #tpu.memory_space<vmem>>)
      "tpu.region"() ({
        %run_scoped3A = tpu.sem_alloc : memref<!tpu.dma_semaphore, #tpu.memory_space<semaphore_mem>>
        %dma_start3A_143 = arith.constant 0 : i32
        %dma_start3A_144 = arith.constant 0 : i32
        %dma_start3A_145 = tpu.memref_slice %arg16[%dma_start3A_143, %dma_start3A_144] : memref<10240x128xf32, #tpu.memory_space<vmem_shared>> -> memref<10240x128xf32, #tpu.memory_space<vmem_shared>>
        tpu.enqueue_indirect_dma source(%arg15 : memref<128x128xf32, #tpu.memory_space<vmem>>) target(%dma_start3A_145 : memref<10240x128xf32, #tpu.memory_space<vmem_shared>>) offsets(%arg9 : memref<128xi32, #tpu.memory_space<vmem>>) semaphore(%run_scoped3A : memref<!tpu.dma_semaphore, #tpu.memory_space<semaphore_mem>>) {add = true}
        %dma_wait3A_146 = arith.constant 0 : i32
        %dma_wait3A_147 = arith.constant 0 : i32
        %dma_wait3A_148 = tpu.memref_slice %arg16[%dma_wait3A_146, %dma_wait3A_147] : memref<10240x128xf32, #tpu.memory_space<vmem_shared>> -> memref<10240x128xf32, #tpu.memory_space<vmem_shared>>
        tpu.wait_indirect_dma semaphore(%run_scoped3A : memref<!tpu.dma_semaphore, #tpu.memory_space<semaphore_mem>>) src(%arg15 : memref<128x128xf32, #tpu.memory_space<vmem>>) dst(%dma_wait3A_148 : memref<10240x128xf32, #tpu.memory_space<vmem_shared>>)
        tpu.yield
      }) : () -> ()
      %lt3A_99 = arith.constant 76 : i32
      %lt3A_100 = arith.cmpi slt, %add3A_95, %lt3A_99 : i32
      %convert_element_type3A_101 = arith.extui %lt3A_100 : i1 to i32
      %cond3A_102 = arith.constant 0 : i32
      %cond3A_103 = arith.cmpi ne, %convert_element_type3A_101, %cond3A_102 : i32
      scf.if %cond3A_103 {
        %add3A_143 = arith.constant 4 : i32
        %add3A_144 = arith.addi %add3A_95, %add3A_143 : i32
        %mul3A_145 = arith.constant 128 : i32
        %mul3A_146 = arith.muli %add3A_144, %mul3A_145 : i32
        %add3A_147 = arith.addi %multiple_of3A_21, %mul3A_146 : i32
        %multiple_of3A_148 = tpu.assume_multiple %add3A_147, 128 : i32
        %dma_start3A_149 = tpu.memref_slice %arg3[%multiple_of3A_148] : memref<327680xi32, #tpu.memory_space<hbm>> -> memref<128xi32, #tpu.memory_space<hbm>>
        %dma_start3A_150 = tpu.memref_slice %arg3[%multiple_of3A_148] : memref<327680xi32, #tpu.memory_space<hbm>> -> memref<128xi32, #tpu.memory_space<hbm>>
        tpu.enqueue_dma source(%dma_start3A_150 : memref<128xi32, #tpu.memory_space<hbm>>) target(%arg8 : memref<128xi32, #tpu.memory_space<vmem>>) target_semaphore(%arg18 : memref<!tpu.dma_semaphore, #tpu.memory_space<semaphore_mem>>)
        %dma_start3A_151 = tpu.memref_slice %arg4[%multiple_of3A_148] : memref<327680xi32, #tpu.memory_space<hbm>> -> memref<128xi32, #tpu.memory_space<hbm>>
        %dma_start3A_152 = tpu.memref_slice %arg4[%multiple_of3A_148] : memref<327680xi32, #tpu.memory_space<hbm>> -> memref<128xi32, #tpu.memory_space<hbm>>
        tpu.enqueue_dma source(%dma_start3A_152 : memref<128xi32, #tpu.memory_space<hbm>>) target(%arg9 : memref<128xi32, #tpu.memory_space<vmem>>) target_semaphore(%arg18 : memref<!tpu.dma_semaphore, #tpu.memory_space<semaphore_mem>>)
      } else {
      }
      %lt3A_104 = arith.constant 78 : i32
      %lt3A_105 = arith.cmpi slt, %add3A_95, %lt3A_104 : i32
      %convert_element_type3A_106 = arith.extui %lt3A_105 : i1 to i32
      %cond3A_107 = arith.constant 0 : i32
      %cond3A_108 = arith.cmpi ne, %convert_element_type3A_106, %cond3A_107 : i32
      scf.if %cond3A_108 {
        %dma_wait3A_143 = arith.constant 0 : i32
        %dma_wait3A_144 = tpu.memref_slice %arg3[%dma_wait3A_143] : memref<327680xi32, #tpu.memory_space<hbm>> -> memref<128xi32, #tpu.memory_space<hbm>>
        %dma_wait3A_145 = arith.constant 0 : i32
        %dma_wait3A_146 = tpu.memref_slice %arg3[%dma_wait3A_145] : memref<327680xi32, #tpu.memory_space<hbm>> -> memref<128xi32, #tpu.memory_space<hbm>>
        tpu.wait_dma2 semaphore(%arg20 : memref<!tpu.dma_semaphore, #tpu.memory_space<semaphore_mem>>) src(%dma_wait3A_146 : memref<128xi32, #tpu.memory_space<hbm>>) dst(%arg12 : memref<128xi32, #tpu.memory_space<vmem>>)
        %dma_wait3A_147 = arith.constant 0 : i32
        %dma_wait3A_148 = tpu.memref_slice %arg4[%dma_wait3A_147] : memref<327680xi32, #tpu.memory_space<hbm>> -> memref<128xi32, #tpu.memory_space<hbm>>
        %dma_wait3A_149 = arith.constant 0 : i32
        %dma_wait3A_150 = tpu.memref_slice %arg4[%dma_wait3A_149] : memref<327680xi32, #tpu.memory_space<hbm>> -> memref<128xi32, #tpu.memory_space<hbm>>
        tpu.wait_dma2 semaphore(%arg20 : memref<!tpu.dma_semaphore, #tpu.memory_space<semaphore_mem>>) src(%dma_wait3A_150 : memref<128xi32, #tpu.memory_space<hbm>>) dst(%arg13 : memref<128xi32, #tpu.memory_space<vmem>>)
        %dma_start3A_151 = arith.constant 0 : i32
        %dma_start3A_152 = arith.constant 0 : i32
        %dma_start3A_153 = tpu.memref_slice %arg2[%dma_start3A_151, %dma_start3A_152] : memref<160000x128xf32, #tpu.memory_space<hbm>> -> memref<160000x128xf32, #tpu.memory_space<hbm>>
        tpu.enqueue_indirect_dma source(%dma_start3A_153 : memref<160000x128xf32, #tpu.memory_space<hbm>>) target(%arg15 : memref<128x128xf32, #tpu.memory_space<vmem>>) offsets(%arg12 : memref<128xi32, #tpu.memory_space<vmem>>) semaphore(%arg22 : memref<!tpu.dma_semaphore, #tpu.memory_space<semaphore_mem>>)
      } else {
      }
      %mul3A_109 = arith.constant 4 : i32
      %mul3A_110 = arith.muli %mul3A_109, %scan3A_77 : i32
      %add3A_111 = arith.constant 2 : i32
      %add3A_112 = arith.addi %mul3A_110, %add3A_111 : i32
      %dma_wait3A_113 = arith.constant 0 : i32
      %dma_wait3A_114 = arith.constant 0 : i32
      %dma_wait3A_115 = tpu.memref_slice %arg2[%dma_wait3A_113, %dma_wait3A_114] : memref<160000x128xf32, #tpu.memory_space<hbm>> -> memref<160000x128xf32, #tpu.memory_space<hbm>>
      tpu.wait_indirect_dma semaphore(%arg21 : memref<!tpu.dma_semaphore, #tpu.memory_space<semaphore_mem>>) src(%dma_wait3A_115 : memref<160000x128xf32, #tpu.memory_space<hbm>>) dst(%arg14 : memref<128x128xf32, #tpu.memory_space<vmem>>)
      "tpu.region"() ({
        %run_scoped3A = tpu.sem_alloc : memref<!tpu.dma_semaphore, #tpu.memory_space<semaphore_mem>>
        %dma_start3A_143 = arith.constant 0 : i32
        %dma_start3A_144 = arith.constant 0 : i32
        %dma_start3A_145 = tpu.memref_slice %arg16[%dma_start3A_143, %dma_start3A_144] : memref<10240x128xf32, #tpu.memory_space<vmem_shared>> -> memref<10240x128xf32, #tpu.memory_space<vmem_shared>>
        tpu.enqueue_indirect_dma source(%arg14 : memref<128x128xf32, #tpu.memory_space<vmem>>) target(%dma_start3A_145 : memref<10240x128xf32, #tpu.memory_space<vmem_shared>>) offsets(%arg11 : memref<128xi32, #tpu.memory_space<vmem>>) semaphore(%run_scoped3A : memref<!tpu.dma_semaphore, #tpu.memory_space<semaphore_mem>>) {add = true}
        %dma_wait3A_146 = arith.constant 0 : i32
        %dma_wait3A_147 = arith.constant 0 : i32
        %dma_wait3A_148 = tpu.memref_slice %arg16[%dma_wait3A_146, %dma_wait3A_147] : memref<10240x128xf32, #tpu.memory_space<vmem_shared>> -> memref<10240x128xf32, #tpu.memory_space<vmem_shared>>
        tpu.wait_indirect_dma semaphore(%run_scoped3A : memref<!tpu.dma_semaphore, #tpu.memory_space<semaphore_mem>>) src(%arg14 : memref<128x128xf32, #tpu.memory_space<vmem>>) dst(%dma_wait3A_148 : memref<10240x128xf32, #tpu.memory_space<vmem_shared>>)
        tpu.yield
      }) : () -> ()
      %lt3A_116 = arith.constant 76 : i32
      %lt3A_117 = arith.cmpi slt, %add3A_112, %lt3A_116 : i32
      %convert_element_type3A_118 = arith.extui %lt3A_117 : i1 to i32
      %cond3A_119 = arith.constant 0 : i32
      %cond3A_120 = arith.cmpi ne, %convert_element_type3A_118, %cond3A_119 : i32
      scf.if %cond3A_120 {
        %add3A_143 = arith.constant 4 : i32
        %add3A_144 = arith.addi %add3A_112, %add3A_143 : i32
        %mul3A_145 = arith.constant 128 : i32
        %mul3A_146 = arith.muli %add3A_144, %mul3A_145 : i32
        %add3A_147 = arith.addi %multiple_of3A_21, %mul3A_146 : i32
        %multiple_of3A_148 = tpu.assume_multiple %add3A_147, 128 : i32
        %dma_start3A_149 = tpu.memref_slice %arg3[%multiple_of3A_148] : memref<327680xi32, #tpu.memory_space<hbm>> -> memref<128xi32, #tpu.memory_space<hbm>>
        %dma_start3A_150 = tpu.memref_slice %arg3[%multiple_of3A_148] : memref<327680xi32, #tpu.memory_space<hbm>> -> memref<128xi32, #tpu.memory_space<hbm>>
        tpu.enqueue_dma source(%dma_start3A_150 : memref<128xi32, #tpu.memory_space<hbm>>) target(%arg10 : memref<128xi32, #tpu.memory_space<vmem>>) target_semaphore(%arg19 : memref<!tpu.dma_semaphore, #tpu.memory_space<semaphore_mem>>)
        %dma_start3A_151 = tpu.memref_slice %arg4[%multiple_of3A_148] : memref<327680xi32, #tpu.memory_space<hbm>> -> memref<128xi32, #tpu.memory_space<hbm>>
        %dma_start3A_152 = tpu.memref_slice %arg4[%multiple_of3A_148] : memref<327680xi32, #tpu.memory_space<hbm>> -> memref<128xi32, #tpu.memory_space<hbm>>
        tpu.enqueue_dma source(%dma_start3A_152 : memref<128xi32, #tpu.memory_space<hbm>>) target(%arg11 : memref<128xi32, #tpu.memory_space<vmem>>) target_semaphore(%arg19 : memref<!tpu.dma_semaphore, #tpu.memory_space<semaphore_mem>>)
      } else {
      }
      %lt3A_121 = arith.constant 78 : i32
      %lt3A_122 = arith.cmpi slt, %add3A_112, %lt3A_121 : i32
      %convert_element_type3A_123 = arith.extui %lt3A_122 : i1 to i32
      %cond3A_124 = arith.constant 0 : i32
      %cond3A_125 = arith.cmpi ne, %convert_element_type3A_123, %cond3A_124 : i32
      scf.if %cond3A_125 {
        %dma_wait3A_143 = arith.constant 0 : i32
        %dma_wait3A_144 = tpu.memref_slice %arg3[%dma_wait3A_143] : memref<327680xi32, #tpu.memory_space<hbm>> -> memref<128xi32, #tpu.memory_space<hbm>>
        %dma_wait3A_145 = arith.constant 0 : i32
        %dma_wait3A_146 = tpu.memref_slice %arg3[%dma_wait3A_145] : memref<327680xi32, #tpu.memory_space<hbm>> -> memref<128xi32, #tpu.memory_space<hbm>>
        tpu.wait_dma2 semaphore(%arg17 : memref<!tpu.dma_semaphore, #tpu.memory_space<semaphore_mem>>) src(%dma_wait3A_146 : memref<128xi32, #tpu.memory_space<hbm>>) dst(%arg6 : memref<128xi32, #tpu.memory_space<vmem>>)
        %dma_wait3A_147 = arith.constant 0 : i32
        %dma_wait3A_148 = tpu.memref_slice %arg4[%dma_wait3A_147] : memref<327680xi32, #tpu.memory_space<hbm>> -> memref<128xi32, #tpu.memory_space<hbm>>
        %dma_wait3A_149 = arith.constant 0 : i32
        %dma_wait3A_150 = tpu.memref_slice %arg4[%dma_wait3A_149] : memref<327680xi32, #tpu.memory_space<hbm>> -> memref<128xi32, #tpu.memory_space<hbm>>
        tpu.wait_dma2 semaphore(%arg17 : memref<!tpu.dma_semaphore, #tpu.memory_space<semaphore_mem>>) src(%dma_wait3A_150 : memref<128xi32, #tpu.memory_space<hbm>>) dst(%arg7 : memref<128xi32, #tpu.memory_space<vmem>>)
        %dma_start3A_151 = arith.constant 0 : i32
        %dma_start3A_152 = arith.constant 0 : i32
        %dma_start3A_153 = tpu.memref_slice %arg2[%dma_start3A_151, %dma_start3A_152] : memref<160000x128xf32, #tpu.memory_space<hbm>> -> memref<160000x128xf32, #tpu.memory_space<hbm>>
        tpu.enqueue_indirect_dma source(%dma_start3A_153 : memref<160000x128xf32, #tpu.memory_space<hbm>>) target(%arg14 : memref<128x128xf32, #tpu.memory_space<vmem>>) offsets(%arg6 : memref<128xi32, #tpu.memory_space<vmem>>) semaphore(%arg21 : memref<!tpu.dma_semaphore, #tpu.memory_space<semaphore_mem>>)
      } else {
      }
      %mul3A_126 = arith.constant 4 : i32
      %mul3A_127 = arith.muli %mul3A_126, %scan3A_77 : i32
      %add3A_128 = arith.constant 3 : i32
      %add3A_129 = arith.addi %mul3A_127, %add3A_128 : i32
      %dma_wait3A_130 = arith.constant 0 : i32
      %dma_wait3A_131 = arith.constant 0 : i32
      %dma_wait3A_132 = tpu.memref_slice %arg2[%dma_wait3A_130, %dma_wait3A_131] : memref<160000x128xf32, #tpu.memory_space<hbm>> -> memref<160000x128xf32, #tpu.memory_space<hbm>>
      tpu.wait_indirect_dma semaphore(%arg22 : memref<!tpu.dma_semaphore, #tpu.memory_space<semaphore_mem>>) src(%dma_wait3A_132 : memref<160000x128xf32, #tpu.memory_space<hbm>>) dst(%arg15 : memref<128x128xf32, #tpu.memory_space<vmem>>)
      "tpu.region"() ({
        %run_scoped3A = tpu.sem_alloc : memref<!tpu.dma_semaphore, #tpu.memory_space<semaphore_mem>>
        %dma_start3A_143 = arith.constant 0 : i32
        %dma_start3A_144 = arith.constant 0 : i32
        %dma_start3A_145 = tpu.memref_slice %arg16[%dma_start3A_143, %dma_start3A_144] : memref<10240x128xf32, #tpu.memory_space<vmem_shared>> -> memref<10240x128xf32, #tpu.memory_space<vmem_shared>>
        tpu.enqueue_indirect_dma source(%arg15 : memref<128x128xf32, #tpu.memory_space<vmem>>) target(%dma_start3A_145 : memref<10240x128xf32, #tpu.memory_space<vmem_shared>>) offsets(%arg13 : memref<128xi32, #tpu.memory_space<vmem>>) semaphore(%run_scoped3A : memref<!tpu.dma_semaphore, #tpu.memory_space<semaphore_mem>>) {add = true}
        %dma_wait3A_146 = arith.constant 0 : i32
        %dma_wait3A_147 = arith.constant 0 : i32
        %dma_wait3A_148 = tpu.memref_slice %arg16[%dma_wait3A_146, %dma_wait3A_147] : memref<10240x128xf32, #tpu.memory_space<vmem_shared>> -> memref<10240x128xf32, #tpu.memory_space<vmem_shared>>
        tpu.wait_indirect_dma semaphore(%run_scoped3A : memref<!tpu.dma_semaphore, #tpu.memory_space<semaphore_mem>>) src(%arg15 : memref<128x128xf32, #tpu.memory_space<vmem>>) dst(%dma_wait3A_148 : memref<10240x128xf32, #tpu.memory_space<vmem_shared>>)
        tpu.yield
      }) : () -> ()
      %lt3A_133 = arith.constant 76 : i32
      %lt3A_134 = arith.cmpi slt, %add3A_129, %lt3A_133 : i32
      %convert_element_type3A_135 = arith.extui %lt3A_134 : i1 to i32
      %cond3A_136 = arith.constant 0 : i32
      %cond3A_137 = arith.cmpi ne, %convert_element_type3A_135, %cond3A_136 : i32
      scf.if %cond3A_137 {
        %add3A_143 = arith.constant 4 : i32
        %add3A_144 = arith.addi %add3A_129, %add3A_143 : i32
        %mul3A_145 = arith.constant 128 : i32
        %mul3A_146 = arith.muli %add3A_144, %mul3A_145 : i32
        %add3A_147 = arith.addi %multiple_of3A_21, %mul3A_146 : i32
        %multiple_of3A_148 = tpu.assume_multiple %add3A_147, 128 : i32
        %dma_start3A_149 = tpu.memref_slice %arg3[%multiple_of3A_148] : memref<327680xi32, #tpu.memory_space<hbm>> -> memref<128xi32, #tpu.memory_space<hbm>>
        %dma_start3A_150 = tpu.memref_slice %arg3[%multiple_of3A_148] : memref<327680xi32, #tpu.memory_space<hbm>> -> memref<128xi32, #tpu.memory_space<hbm>>
        tpu.enqueue_dma source(%dma_start3A_150 : memref<128xi32, #tpu.memory_space<hbm>>) target(%arg12 : memref<128xi32, #tpu.memory_space<vmem>>) target_semaphore(%arg20 : memref<!tpu.dma_semaphore, #tpu.memory_space<semaphore_mem>>)
        %dma_start3A_151 = tpu.memref_slice %arg4[%multiple_of3A_148] : memref<327680xi32, #tpu.memory_space<hbm>> -> memref<128xi32, #tpu.memory_space<hbm>>
        %dma_start3A_152 = tpu.memref_slice %arg4[%multiple_of3A_148] : memref<327680xi32, #tpu.memory_space<hbm>> -> memref<128xi32, #tpu.memory_space<hbm>>
        tpu.enqueue_dma source(%dma_start3A_152 : memref<128xi32, #tpu.memory_space<hbm>>) target(%arg13 : memref<128xi32, #tpu.memory_space<vmem>>) target_semaphore(%arg20 : memref<!tpu.dma_semaphore, #tpu.memory_space<semaphore_mem>>)
      } else {
      }
      %lt3A_138 = arith.constant 78 : i32
      %lt3A_139 = arith.cmpi slt, %add3A_129, %lt3A_138 : i32
      %convert_element_type3A_140 = arith.extui %lt3A_139 : i1 to i32
      %cond3A_141 = arith.constant 0 : i32
      %cond3A_142 = arith.cmpi ne, %convert_element_type3A_140, %cond3A_141 : i32
      scf.if %cond3A_142 {
        %dma_wait3A_143 = arith.constant 0 : i32
        %dma_wait3A_144 = tpu.memref_slice %arg3[%dma_wait3A_143] : memref<327680xi32, #tpu.memory_space<hbm>> -> memref<128xi32, #tpu.memory_space<hbm>>
        %dma_wait3A_145 = arith.constant 0 : i32
        %dma_wait3A_146 = tpu.memref_slice %arg3[%dma_wait3A_145] : memref<327680xi32, #tpu.memory_space<hbm>> -> memref<128xi32, #tpu.memory_space<hbm>>
        tpu.wait_dma2 semaphore(%arg18 : memref<!tpu.dma_semaphore, #tpu.memory_space<semaphore_mem>>) src(%dma_wait3A_146 : memref<128xi32, #tpu.memory_space<hbm>>) dst(%arg8 : memref<128xi32, #tpu.memory_space<vmem>>)
        %dma_wait3A_147 = arith.constant 0 : i32
        %dma_wait3A_148 = tpu.memref_slice %arg4[%dma_wait3A_147] : memref<327680xi32, #tpu.memory_space<hbm>> -> memref<128xi32, #tpu.memory_space<hbm>>
        %dma_wait3A_149 = arith.constant 0 : i32
        %dma_wait3A_150 = tpu.memref_slice %arg4[%dma_wait3A_149] : memref<327680xi32, #tpu.memory_space<hbm>> -> memref<128xi32, #tpu.memory_space<hbm>>
        tpu.wait_dma2 semaphore(%arg18 : memref<!tpu.dma_semaphore, #tpu.memory_space<semaphore_mem>>) src(%dma_wait3A_150 : memref<128xi32, #tpu.memory_space<hbm>>) dst(%arg9 : memref<128xi32, #tpu.memory_space<vmem>>)
        %dma_start3A_151 = arith.constant 0 : i32
        %dma_start3A_152 = arith.constant 0 : i32
        %dma_start3A_153 = tpu.memref_slice %arg2[%dma_start3A_151, %dma_start3A_152] : memref<160000x128xf32, #tpu.memory_space<hbm>> -> memref<160000x128xf32, #tpu.memory_space<hbm>>
        tpu.enqueue_indirect_dma source(%dma_start3A_153 : memref<160000x128xf32, #tpu.memory_space<hbm>>) target(%arg15 : memref<128x128xf32, #tpu.memory_space<vmem>>) offsets(%arg8 : memref<128xi32, #tpu.memory_space<vmem>>) semaphore(%arg22 : memref<!tpu.dma_semaphore, #tpu.memory_space<semaphore_mem>>)
      } else {
      }
    }
    %scan3A_75 = arith.constant 20 : i32
    %barrier3A_76 = arith.constant 0 : index
    tpu.barrier barrier_id(%barrier3A_76)
    "tpu.region"() ({
      %run_scoped3A = tpu.sem_alloc : memref<!tpu.dma_semaphore, #tpu.memory_space<semaphore_mem>>
      %dma_start3A_77 = arith.constant 0 : i32
      %dma_start3A_78 = tpu.memref_slice %arg5[%arg0, %multiple_of3A, %dma_start3A_77] : memref<2x10240x128xf32, #tpu.memory_space<hbm>> -> memref<1x640x128xf32, #tpu.memory_space<hbm>>
      %dma_start3A_79 = tpu.memref_squeeze %dma_start3A_78 : memref<1x640x128xf32, #tpu.memory_space<hbm>> -> memref<640x128xf32, #tpu.memory_space<hbm>>
      %dma_start3A_80 = arith.constant 0 : i32
      %dma_start3A_81 = tpu.memref_slice %arg16[%multiple_of3A, %dma_start3A_80] : memref<10240x128xf32, #tpu.memory_space<vmem_shared>> -> memref<640x128xf32, #tpu.memory_space<vmem_shared>>
      tpu.enqueue_dma source(%dma_start3A_81 : memref<640x128xf32, #tpu.memory_space<vmem_shared>>) target(%dma_start3A_79 : memref<640x128xf32, #tpu.memory_space<hbm>>) target_semaphore(%run_scoped3A : memref<!tpu.dma_semaphore, #tpu.memory_space<semaphore_mem>>)
      %dma_wait3A_82 = arith.constant 0 : i32
      %dma_wait3A_83 = tpu.memref_slice %arg5[%arg0, %multiple_of3A, %dma_wait3A_82] : memref<2x10240x128xf32, #tpu.memory_space<hbm>> -> memref<1x640x128xf32, #tpu.memory_space<hbm>>
      %dma_wait3A_84 = tpu.memref_squeeze %dma_wait3A_83 : memref<1x640x128xf32, #tpu.memory_space<hbm>> -> memref<640x128xf32, #tpu.memory_space<hbm>>
      %dma_wait3A_85 = arith.constant 0 : i32
      %dma_wait3A_86 = tpu.memref_slice %arg16[%multiple_of3A, %dma_wait3A_85] : memref<10240x128xf32, #tpu.memory_space<vmem_shared>> -> memref<640x128xf32, #tpu.memory_space<vmem_shared>>
      tpu.wait_dma2 semaphore(%run_scoped3A : memref<!tpu.dma_semaphore, #tpu.memory_space<semaphore_mem>>) src(%dma_wait3A_86 : memref<640x128xf32, #tpu.memory_space<vmem_shared>>) dst(%dma_wait3A_84 : memref<640x128xf32, #tpu.memory_space<hbm>>)
      tpu.yield
    }) : () -> ()
    return
  }
}

module attributes {stable_mosaic.version = 14 : i64} {
  func.func @_transform_body(%arg0: i32, %arg1: memref<2000x128xf32, #tpu.memory_space<vmem>>, %arg2: memref<8x128x128xf32, #tpu.memory_space<vmem>>, %arg3: memref<16x8xf32, #tpu.memory_space<vmem>>, %arg4: memref<16x2000x128xf32, #tpu.memory_space<vmem>>) attributes {dimension_semantics = [#tpu.dimension_semantics<arbitrary>], iteration_bounds = array<i64: 5>, scalar_prefetch = 0 : i64, scratch_operands = 0 : i64, tpu.core_type = #tpu.core_type<tc>, window_params = [{transform_indices = @transform_0, window_bounds = array<i64: 2000, 128>}, {pipeline_mode = #tpu.pipeline_mode<synchronous>, transform_indices = @transform_1, window_bounds = array<i64: 8, 128, 128>}, {pipeline_mode = #tpu.pipeline_mode<synchronous>, transform_indices = @transform_2, window_bounds = array<i64: 16, 8>}, {transform_indices = @transform_3, window_bounds = array<i64: 16, 2000, 128>}]} {
    %get3A = arith.constant 0 : index
    %get3A_0 = arith.constant 0 : index
    %get3A_1 = arith.constant 0 : index
    %get3A_2 = vector.load %arg2[%get3A, %get3A_0, %get3A_1] : memref<8x128x128xf32, #tpu.memory_space<vmem>>, vector<8x128x128xf32>
    %reshape3A = vector.shape_cast %get3A_2 : vector<8x128x128xf32> to vector<8x16384xf32>
    %get3A_3 = arith.constant 0 : index
    %get3A_4 = arith.constant 0 : index
    %get3A_5 = vector.load %arg3[%get3A_3, %get3A_4] : memref<16x8xf32, #tpu.memory_space<vmem>>, vector<16x8xf32>
    %dot_general3A = arith.constant dense<0.000000e+00> : vector<16x16384xf32>
    %dot_general3A_6 = tpu.matmul %get3A_5, %reshape3A, %dot_general3A {dimension_numbers = #tpu.dot_dimension_numbers<[1], [0], [0], [1], [0, 0, 1, 1], [], []>, transpose_lhs_hint = false} : vector<16x8xf32>, vector<8x16384xf32>, vector<16x16384xf32> -> vector<16x16384xf32>
    %reshape3A_7 = vector.shape_cast %dot_general3A_6 : vector<16x16384xf32> to vector<16x128x128xf32>
    %get3A_8 = arith.constant 0 : index
    %get3A_9 = arith.constant 0 : index
    %get3A_10 = vector.load %arg1[%get3A_8, %get3A_9] : memref<2000x128xf32, #tpu.memory_space<vmem>>, vector<2000x128xf32>
    %slice3A = vector.extract_strided_slice %reshape3A_7 {offsets = [0, 0, 0], sizes = [1, 128, 128], strides = [1, 1, 1]} : vector<16x128x128xf32> to vector<1x128x128xf32>
    %squeeze3A = vector.shape_cast %slice3A : vector<1x128x128xf32> to vector<128x128xf32>
    %dot_general3A_11 = arith.constant dense<0.000000e+00> : vector<2000x128xf32>
    %dot_general3A_12 = tpu.matmul %get3A_10, %squeeze3A, %dot_general3A_11 {dimension_numbers = #tpu.dot_dimension_numbers<[1], [0], [0], [1], [0, 0, 1, 1], [], []>, transpose_lhs_hint = false} : vector<2000x128xf32>, vector<128x128xf32>, vector<2000x128xf32> -> vector<2000x128xf32>
    %swap3A = arith.constant 0 : index
    %swap3A_13 = arith.constant 0 : index
    %swap3A_14 = arith.constant 0 : index
    %swap3A_15 = vector.load %arg4[%swap3A, %swap3A_13, %swap3A_14] : memref<16x2000x128xf32, #tpu.memory_space<vmem>>, vector<1x2000x128xf32>
    %swap3A_16 = vector.shape_cast %swap3A_15 : vector<1x2000x128xf32> to vector<2000x128xf32>
    %swap3A_17 = vector.shape_cast %dot_general3A_12 : vector<2000x128xf32> to vector<1x2000x128xf32>
    tpu.vector_store %arg4[%swap3A, %swap3A_13, %swap3A_14], %swap3A_17 {strides = array<i32>} : memref<16x2000x128xf32, #tpu.memory_space<vmem>>, vector<1x2000x128xf32>,
    %slice3A_18 = vector.extract_strided_slice %reshape3A_7 {offsets = [1, 0, 0], sizes = [1, 128, 128], strides = [1, 1, 1]} : vector<16x128x128xf32> to vector<1x128x128xf32>
    %squeeze3A_19 = vector.shape_cast %slice3A_18 : vector<1x128x128xf32> to vector<128x128xf32>
    %dot_general3A_20 = arith.constant dense<0.000000e+00> : vector<2000x128xf32>
    %dot_general3A_21 = tpu.matmul %get3A_10, %squeeze3A_19, %dot_general3A_20 {dimension_numbers = #tpu.dot_dimension_numbers<[1], [0], [0], [1], [0, 0, 1, 1], [], []>, transpose_lhs_hint = false} : vector<2000x128xf32>, vector<128x128xf32>, vector<2000x128xf32> -> vector<2000x128xf32>
    %swap3A_22 = arith.constant 1 : index
    %swap3A_23 = arith.constant 0 : index
    %swap3A_24 = arith.constant 0 : index
    %swap3A_25 = vector.load %arg4[%swap3A_22, %swap3A_23, %swap3A_24] : memref<16x2000x128xf32, #tpu.memory_space<vmem>>, vector<1x2000x128xf32>
    %swap3A_26 = vector.shape_cast %swap3A_25 : vector<1x2000x128xf32> to vector<2000x128xf32>
    %swap3A_27 = vector.shape_cast %dot_general3A_21 : vector<2000x128xf32> to vector<1x2000x128xf32>
    tpu.vector_store %arg4[%swap3A_22, %swap3A_23, %swap3A_24], %swap3A_27 {strides = array<i32>} : memref<16x2000x128xf32, #tpu.memory_space<vmem>>, vector<1x2000x128xf32>,
    %slice3A_28 = vector.extract_strided_slice %reshape3A_7 {offsets = [2, 0, 0], sizes = [1, 128, 128], strides = [1, 1, 1]} : vector<16x128x128xf32> to vector<1x128x128xf32>
    %squeeze3A_29 = vector.shape_cast %slice3A_28 : vector<1x128x128xf32> to vector<128x128xf32>
    %dot_general3A_30 = arith.constant dense<0.000000e+00> : vector<2000x128xf32>
    %dot_general3A_31 = tpu.matmul %get3A_10, %squeeze3A_29, %dot_general3A_30 {dimension_numbers = #tpu.dot_dimension_numbers<[1], [0], [0], [1], [0, 0, 1, 1], [], []>, transpose_lhs_hint = false} : vector<2000x128xf32>, vector<128x128xf32>, vector<2000x128xf32> -> vector<2000x128xf32>
    %swap3A_32 = arith.constant 2 : index
    %swap3A_33 = arith.constant 0 : index
    %swap3A_34 = arith.constant 0 : index
    %swap3A_35 = vector.load %arg4[%swap3A_32, %swap3A_33, %swap3A_34] : memref<16x2000x128xf32, #tpu.memory_space<vmem>>, vector<1x2000x128xf32>
    %swap3A_36 = vector.shape_cast %swap3A_35 : vector<1x2000x128xf32> to vector<2000x128xf32>
    %swap3A_37 = vector.shape_cast %dot_general3A_31 : vector<2000x128xf32> to vector<1x2000x128xf32>
    tpu.vector_store %arg4[%swap3A_32, %swap3A_33, %swap3A_34], %swap3A_37 {strides = array<i32>} : memref<16x2000x128xf32, #tpu.memory_space<vmem>>, vector<1x2000x128xf32>,
    %slice3A_38 = vector.extract_strided_slice %reshape3A_7 {offsets = [3, 0, 0], sizes = [1, 128, 128], strides = [1, 1, 1]} : vector<16x128x128xf32> to vector<1x128x128xf32>
    %squeeze3A_39 = vector.shape_cast %slice3A_38 : vector<1x128x128xf32> to vector<128x128xf32>
    %dot_general3A_40 = arith.constant dense<0.000000e+00> : vector<2000x128xf32>
    %dot_general3A_41 = tpu.matmul %get3A_10, %squeeze3A_39, %dot_general3A_40 {dimension_numbers = #tpu.dot_dimension_numbers<[1], [0], [0], [1], [0, 0, 1, 1], [], []>, transpose_lhs_hint = false} : vector<2000x128xf32>, vector<128x128xf32>, vector<2000x128xf32> -> vector<2000x128xf32>
    %swap3A_42 = arith.constant 3 : index
    %swap3A_43 = arith.constant 0 : index
    %swap3A_44 = arith.constant 0 : index
    %swap3A_45 = vector.load %arg4[%swap3A_42, %swap3A_43, %swap3A_44] : memref<16x2000x128xf32, #tpu.memory_space<vmem>>, vector<1x2000x128xf32>
    %swap3A_46 = vector.shape_cast %swap3A_45 : vector<1x2000x128xf32> to vector<2000x128xf32>
    %swap3A_47 = vector.shape_cast %dot_general3A_41 : vector<2000x128xf32> to vector<1x2000x128xf32>
    tpu.vector_store %arg4[%swap3A_42, %swap3A_43, %swap3A_44], %swap3A_47 {strides = array<i32>} : memref<16x2000x128xf32, #tpu.memory_space<vmem>>, vector<1x2000x128xf32>,
    %slice3A_48 = vector.extract_strided_slice %reshape3A_7 {offsets = [4, 0, 0], sizes = [1, 128, 128], strides = [1, 1, 1]} : vector<16x128x128xf32> to vector<1x128x128xf32>
    %squeeze3A_49 = vector.shape_cast %slice3A_48 : vector<1x128x128xf32> to vector<128x128xf32>
    %dot_general3A_50 = arith.constant dense<0.000000e+00> : vector<2000x128xf32>
    %dot_general3A_51 = tpu.matmul %get3A_10, %squeeze3A_49, %dot_general3A_50 {dimension_numbers = #tpu.dot_dimension_numbers<[1], [0], [0], [1], [0, 0, 1, 1], [], []>, transpose_lhs_hint = false} : vector<2000x128xf32>, vector<128x128xf32>, vector<2000x128xf32> -> vector<2000x128xf32>
    %swap3A_52 = arith.constant 4 : index
    %swap3A_53 = arith.constant 0 : index
    %swap3A_54 = arith.constant 0 : index
    %swap3A_55 = vector.load %arg4[%swap3A_52, %swap3A_53, %swap3A_54] : memref<16x2000x128xf32, #tpu.memory_space<vmem>>, vector<1x2000x128xf32>
    %swap3A_56 = vector.shape_cast %swap3A_55 : vector<1x2000x128xf32> to vector<2000x128xf32>
    %swap3A_57 = vector.shape_cast %dot_general3A_51 : vector<2000x128xf32> to vector<1x2000x128xf32>
    tpu.vector_store %arg4[%swap3A_52, %swap3A_53, %swap3A_54], %swap3A_57 {strides = array<i32>} : memref<16x2000x128xf32, #tpu.memory_space<vmem>>, vector<1x2000x128xf32>,
    %slice3A_58 = vector.extract_strided_slice %reshape3A_7 {offsets = [5, 0, 0], sizes = [1, 128, 128], strides = [1, 1, 1]} : vector<16x128x128xf32> to vector<1x128x128xf32>
    %squeeze3A_59 = vector.shape_cast %slice3A_58 : vector<1x128x128xf32> to vector<128x128xf32>
    %dot_general3A_60 = arith.constant dense<0.000000e+00> : vector<2000x128xf32>
    %dot_general3A_61 = tpu.matmul %get3A_10, %squeeze3A_59, %dot_general3A_60 {dimension_numbers = #tpu.dot_dimension_numbers<[1], [0], [0], [1], [0, 0, 1, 1], [], []>, transpose_lhs_hint = false} : vector<2000x128xf32>, vector<128x128xf32>, vector<2000x128xf32> -> vector<2000x128xf32>
    %swap3A_62 = arith.constant 5 : index
    %swap3A_63 = arith.constant 0 : index
    %swap3A_64 = arith.constant 0 : index
    %swap3A_65 = vector.load %arg4[%swap3A_62, %swap3A_63, %swap3A_64] : memref<16x2000x128xf32, #tpu.memory_space<vmem>>, vector<1x2000x128xf32>
    %swap3A_66 = vector.shape_cast %swap3A_65 : vector<1x2000x128xf32> to vector<2000x128xf32>
    %swap3A_67 = vector.shape_cast %dot_general3A_61 : vector<2000x128xf32> to vector<1x2000x128xf32>
    tpu.vector_store %arg4[%swap3A_62, %swap3A_63, %swap3A_64], %swap3A_67 {strides = array<i32>} : memref<16x2000x128xf32, #tpu.memory_space<vmem>>, vector<1x2000x128xf32>,
    %slice3A_68 = vector.extract_strided_slice %reshape3A_7 {offsets = [6, 0, 0], sizes = [1, 128, 128], strides = [1, 1, 1]} : vector<16x128x128xf32> to vector<1x128x128xf32>
    %squeeze3A_69 = vector.shape_cast %slice3A_68 : vector<1x128x128xf32> to vector<128x128xf32>
    %dot_general3A_70 = arith.constant dense<0.000000e+00> : vector<2000x128xf32>
    %dot_general3A_71 = tpu.matmul %get3A_10, %squeeze3A_69, %dot_general3A_70 {dimension_numbers = #tpu.dot_dimension_numbers<[1], [0], [0], [1], [0, 0, 1, 1], [], []>, transpose_lhs_hint = false} : vector<2000x128xf32>, vector<128x128xf32>, vector<2000x128xf32> -> vector<2000x128xf32>
    %swap3A_72 = arith.constant 6 : index
    %swap3A_73 = arith.constant 0 : index
    %swap3A_74 = arith.constant 0 : index
    %swap3A_75 = vector.load %arg4[%swap3A_72, %swap3A_73, %swap3A_74] : memref<16x2000x128xf32, #tpu.memory_space<vmem>>, vector<1x2000x128xf32>
    %swap3A_76 = vector.shape_cast %swap3A_75 : vector<1x2000x128xf32> to vector<2000x128xf32>
    %swap3A_77 = vector.shape_cast %dot_general3A_71 : vector<2000x128xf32> to vector<1x2000x128xf32>
    tpu.vector_store %arg4[%swap3A_72, %swap3A_73, %swap3A_74], %swap3A_77 {strides = array<i32>} : memref<16x2000x128xf32, #tpu.memory_space<vmem>>, vector<1x2000x128xf32>,
    %slice3A_78 = vector.extract_strided_slice %reshape3A_7 {offsets = [7, 0, 0], sizes = [1, 128, 128], strides = [1, 1, 1]} : vector<16x128x128xf32> to vector<1x128x128xf32>
    %squeeze3A_79 = vector.shape_cast %slice3A_78 : vector<1x128x128xf32> to vector<128x128xf32>
    %dot_general3A_80 = arith.constant dense<0.000000e+00> : vector<2000x128xf32>
    %dot_general3A_81 = tpu.matmul %get3A_10, %squeeze3A_79, %dot_general3A_80 {dimension_numbers = #tpu.dot_dimension_numbers<[1], [0], [0], [1], [0, 0, 1, 1], [], []>, transpose_lhs_hint = false} : vector<2000x128xf32>, vector<128x128xf32>, vector<2000x128xf32> -> vector<2000x128xf32>
    %swap3A_82 = arith.constant 7 : index
    %swap3A_83 = arith.constant 0 : index
    %swap3A_84 = arith.constant 0 : index
    %swap3A_85 = vector.load %arg4[%swap3A_82, %swap3A_83, %swap3A_84] : memref<16x2000x128xf32, #tpu.memory_space<vmem>>, vector<1x2000x128xf32>
    %swap3A_86 = vector.shape_cast %swap3A_85 : vector<1x2000x128xf32> to vector<2000x128xf32>
    %swap3A_87 = vector.shape_cast %dot_general3A_81 : vector<2000x128xf32> to vector<1x2000x128xf32>
    tpu.vector_store %arg4[%swap3A_82, %swap3A_83, %swap3A_84], %swap3A_87 {strides = array<i32>} : memref<16x2000x128xf32, #tpu.memory_space<vmem>>, vector<1x2000x128xf32>,
    %slice3A_88 = vector.extract_strided_slice %reshape3A_7 {offsets = [8, 0, 0], sizes = [1, 128, 128], strides = [1, 1, 1]} : vector<16x128x128xf32> to vector<1x128x128xf32>
    %squeeze3A_89 = vector.shape_cast %slice3A_88 : vector<1x128x128xf32> to vector<128x128xf32>
    %dot_general3A_90 = arith.constant dense<0.000000e+00> : vector<2000x128xf32>
    %dot_general3A_91 = tpu.matmul %get3A_10, %squeeze3A_89, %dot_general3A_90 {dimension_numbers = #tpu.dot_dimension_numbers<[1], [0], [0], [1], [0, 0, 1, 1], [], []>, transpose_lhs_hint = false} : vector<2000x128xf32>, vector<128x128xf32>, vector<2000x128xf32> -> vector<2000x128xf32>
    %swap3A_92 = arith.constant 8 : index
    %swap3A_93 = arith.constant 0 : index
    %swap3A_94 = arith.constant 0 : index
    %swap3A_95 = vector.load %arg4[%swap3A_92, %swap3A_93, %swap3A_94] : memref<16x2000x128xf32, #tpu.memory_space<vmem>>, vector<1x2000x128xf32>
    %swap3A_96 = vector.shape_cast %swap3A_95 : vector<1x2000x128xf32> to vector<2000x128xf32>
    %swap3A_97 = vector.shape_cast %dot_general3A_91 : vector<2000x128xf32> to vector<1x2000x128xf32>
    tpu.vector_store %arg4[%swap3A_92, %swap3A_93, %swap3A_94], %swap3A_97 {strides = array<i32>} : memref<16x2000x128xf32, #tpu.memory_space<vmem>>, vector<1x2000x128xf32>,
    %slice3A_98 = vector.extract_strided_slice %reshape3A_7 {offsets = [9, 0, 0], sizes = [1, 128, 128], strides = [1, 1, 1]} : vector<16x128x128xf32> to vector<1x128x128xf32>
    %squeeze3A_99 = vector.shape_cast %slice3A_98 : vector<1x128x128xf32> to vector<128x128xf32>
    %dot_general3A_100 = arith.constant dense<0.000000e+00> : vector<2000x128xf32>
    %dot_general3A_101 = tpu.matmul %get3A_10, %squeeze3A_99, %dot_general3A_100 {dimension_numbers = #tpu.dot_dimension_numbers<[1], [0], [0], [1], [0, 0, 1, 1], [], []>, transpose_lhs_hint = false} : vector<2000x128xf32>, vector<128x128xf32>, vector<2000x128xf32> -> vector<2000x128xf32>
    %swap3A_102 = arith.constant 9 : index
    %swap3A_103 = arith.constant 0 : index
    %swap3A_104 = arith.constant 0 : index
    %swap3A_105 = vector.load %arg4[%swap3A_102, %swap3A_103, %swap3A_104] : memref<16x2000x128xf32, #tpu.memory_space<vmem>>, vector<1x2000x128xf32>
    %swap3A_106 = vector.shape_cast %swap3A_105 : vector<1x2000x128xf32> to vector<2000x128xf32>
    %swap3A_107 = vector.shape_cast %dot_general3A_101 : vector<2000x128xf32> to vector<1x2000x128xf32>
    tpu.vector_store %arg4[%swap3A_102, %swap3A_103, %swap3A_104], %swap3A_107 {strides = array<i32>} : memref<16x2000x128xf32, #tpu.memory_space<vmem>>, vector<1x2000x128xf32>,
    %slice3A_108 = vector.extract_strided_slice %reshape3A_7 {offsets = [10, 0, 0], sizes = [1, 128, 128], strides = [1, 1, 1]} : vector<16x128x128xf32> to vector<1x128x128xf32>
    %squeeze3A_109 = vector.shape_cast %slice3A_108 : vector<1x128x128xf32> to vector<128x128xf32>
    %dot_general3A_110 = arith.constant dense<0.000000e+00> : vector<2000x128xf32>
    %dot_general3A_111 = tpu.matmul %get3A_10, %squeeze3A_109, %dot_general3A_110 {dimension_numbers = #tpu.dot_dimension_numbers<[1], [0], [0], [1], [0, 0, 1, 1], [], []>, transpose_lhs_hint = false} : vector<2000x128xf32>, vector<128x128xf32>, vector<2000x128xf32> -> vector<2000x128xf32>
    %swap3A_112 = arith.constant 10 : index
    %swap3A_113 = arith.constant 0 : index
    %swap3A_114 = arith.constant 0 : index
    %swap3A_115 = vector.load %arg4[%swap3A_112, %swap3A_113, %swap3A_114] : memref<16x2000x128xf32, #tpu.memory_space<vmem>>, vector<1x2000x128xf32>
    %swap3A_116 = vector.shape_cast %swap3A_115 : vector<1x2000x128xf32> to vector<2000x128xf32>
    %swap3A_117 = vector.shape_cast %dot_general3A_111 : vector<2000x128xf32> to vector<1x2000x128xf32>
    tpu.vector_store %arg4[%swap3A_112, %swap3A_113, %swap3A_114], %swap3A_117 {strides = array<i32>} : memref<16x2000x128xf32, #tpu.memory_space<vmem>>, vector<1x2000x128xf32>,
    %slice3A_118 = vector.extract_strided_slice %reshape3A_7 {offsets = [11, 0, 0], sizes = [1, 128, 128], strides = [1, 1, 1]} : vector<16x128x128xf32> to vector<1x128x128xf32>
    %squeeze3A_119 = vector.shape_cast %slice3A_118 : vector<1x128x128xf32> to vector<128x128xf32>
    %dot_general3A_120 = arith.constant dense<0.000000e+00> : vector<2000x128xf32>
    %dot_general3A_121 = tpu.matmul %get3A_10, %squeeze3A_119, %dot_general3A_120 {dimension_numbers = #tpu.dot_dimension_numbers<[1], [0], [0], [1], [0, 0, 1, 1], [], []>, transpose_lhs_hint = false} : vector<2000x128xf32>, vector<128x128xf32>, vector<2000x128xf32> -> vector<2000x128xf32>
    %swap3A_122 = arith.constant 11 : index
    %swap3A_123 = arith.constant 0 : index
    %swap3A_124 = arith.constant 0 : index
    %swap3A_125 = vector.load %arg4[%swap3A_122, %swap3A_123, %swap3A_124] : memref<16x2000x128xf32, #tpu.memory_space<vmem>>, vector<1x2000x128xf32>
    %swap3A_126 = vector.shape_cast %swap3A_125 : vector<1x2000x128xf32> to vector<2000x128xf32>
    %swap3A_127 = vector.shape_cast %dot_general3A_121 : vector<2000x128xf32> to vector<1x2000x128xf32>
    tpu.vector_store %arg4[%swap3A_122, %swap3A_123, %swap3A_124], %swap3A_127 {strides = array<i32>} : memref<16x2000x128xf32, #tpu.memory_space<vmem>>, vector<1x2000x128xf32>,
    %slice3A_128 = vector.extract_strided_slice %reshape3A_7 {offsets = [12, 0, 0], sizes = [1, 128, 128], strides = [1, 1, 1]} : vector<16x128x128xf32> to vector<1x128x128xf32>
    %squeeze3A_129 = vector.shape_cast %slice3A_128 : vector<1x128x128xf32> to vector<128x128xf32>
    %dot_general3A_130 = arith.constant dense<0.000000e+00> : vector<2000x128xf32>
    %dot_general3A_131 = tpu.matmul %get3A_10, %squeeze3A_129, %dot_general3A_130 {dimension_numbers = #tpu.dot_dimension_numbers<[1], [0], [0], [1], [0, 0, 1, 1], [], []>, transpose_lhs_hint = false} : vector<2000x128xf32>, vector<128x128xf32>, vector<2000x128xf32> -> vector<2000x128xf32>
    %swap3A_132 = arith.constant 12 : index
    %swap3A_133 = arith.constant 0 : index
    %swap3A_134 = arith.constant 0 : index
    %swap3A_135 = vector.load %arg4[%swap3A_132, %swap3A_133, %swap3A_134] : memref<16x2000x128xf32, #tpu.memory_space<vmem>>, vector<1x2000x128xf32>
    %swap3A_136 = vector.shape_cast %swap3A_135 : vector<1x2000x128xf32> to vector<2000x128xf32>
    %swap3A_137 = vector.shape_cast %dot_general3A_131 : vector<2000x128xf32> to vector<1x2000x128xf32>
    tpu.vector_store %arg4[%swap3A_132, %swap3A_133, %swap3A_134], %swap3A_137 {strides = array<i32>} : memref<16x2000x128xf32, #tpu.memory_space<vmem>>, vector<1x2000x128xf32>,
    %slice3A_138 = vector.extract_strided_slice %reshape3A_7 {offsets = [13, 0, 0], sizes = [1, 128, 128], strides = [1, 1, 1]} : vector<16x128x128xf32> to vector<1x128x128xf32>
    %squeeze3A_139 = vector.shape_cast %slice3A_138 : vector<1x128x128xf32> to vector<128x128xf32>
    %dot_general3A_140 = arith.constant dense<0.000000e+00> : vector<2000x128xf32>
    %dot_general3A_141 = tpu.matmul %get3A_10, %squeeze3A_139, %dot_general3A_140 {dimension_numbers = #tpu.dot_dimension_numbers<[1], [0], [0], [1], [0, 0, 1, 1], [], []>, transpose_lhs_hint = false} : vector<2000x128xf32>, vector<128x128xf32>, vector<2000x128xf32> -> vector<2000x128xf32>
    %swap3A_142 = arith.constant 13 : index
    %swap3A_143 = arith.constant 0 : index
    %swap3A_144 = arith.constant 0 : index
    %swap3A_145 = vector.load %arg4[%swap3A_142, %swap3A_143, %swap3A_144] : memref<16x2000x128xf32, #tpu.memory_space<vmem>>, vector<1x2000x128xf32>
    %swap3A_146 = vector.shape_cast %swap3A_145 : vector<1x2000x128xf32> to vector<2000x128xf32>
    %swap3A_147 = vector.shape_cast %dot_general3A_141 : vector<2000x128xf32> to vector<1x2000x128xf32>
    tpu.vector_store %arg4[%swap3A_142, %swap3A_143, %swap3A_144], %swap3A_147 {strides = array<i32>} : memref<16x2000x128xf32, #tpu.memory_space<vmem>>, vector<1x2000x128xf32>,
    %slice3A_148 = vector.extract_strided_slice %reshape3A_7 {offsets = [14, 0, 0], sizes = [1, 128, 128], strides = [1, 1, 1]} : vector<16x128x128xf32> to vector<1x128x128xf32>
    %squeeze3A_149 = vector.shape_cast %slice3A_148 : vector<1x128x128xf32> to vector<128x128xf32>
    %dot_general3A_150 = arith.constant dense<0.000000e+00> : vector<2000x128xf32>
    %dot_general3A_151 = tpu.matmul %get3A_10, %squeeze3A_149, %dot_general3A_150 {dimension_numbers = #tpu.dot_dimension_numbers<[1], [0], [0], [1], [0, 0, 1, 1], [], []>, transpose_lhs_hint = false} : vector<2000x128xf32>, vector<128x128xf32>, vector<2000x128xf32> -> vector<2000x128xf32>
    %swap3A_152 = arith.constant 14 : index
    %swap3A_153 = arith.constant 0 : index
    %swap3A_154 = arith.constant 0 : index
    %swap3A_155 = vector.load %arg4[%swap3A_152, %swap3A_153, %swap3A_154] : memref<16x2000x128xf32, #tpu.memory_space<vmem>>, vector<1x2000x128xf32>
    %swap3A_156 = vector.shape_cast %swap3A_155 : vector<1x2000x128xf32> to vector<2000x128xf32>
    %swap3A_157 = vector.shape_cast %dot_general3A_151 : vector<2000x128xf32> to vector<1x2000x128xf32>
    tpu.vector_store %arg4[%swap3A_152, %swap3A_153, %swap3A_154], %swap3A_157 {strides = array<i32>} : memref<16x2000x128xf32, #tpu.memory_space<vmem>>, vector<1x2000x128xf32>,
    %slice3A_158 = vector.extract_strided_slice %reshape3A_7 {offsets = [15, 0, 0], sizes = [1, 128, 128], strides = [1, 1, 1]} : vector<16x128x128xf32> to vector<1x128x128xf32>
    %squeeze3A_159 = vector.shape_cast %slice3A_158 : vector<1x128x128xf32> to vector<128x128xf32>
    %dot_general3A_160 = arith.constant dense<0.000000e+00> : vector<2000x128xf32>
    %dot_general3A_161 = tpu.matmul %get3A_10, %squeeze3A_159, %dot_general3A_160 {dimension_numbers = #tpu.dot_dimension_numbers<[1], [0], [0], [1], [0, 0, 1, 1], [], []>, transpose_lhs_hint = false} : vector<2000x128xf32>, vector<128x128xf32>, vector<2000x128xf32> -> vector<2000x128xf32>
    %swap3A_162 = arith.constant 15 : index
    %swap3A_163 = arith.constant 0 : index
    %swap3A_164 = arith.constant 0 : index
    %swap3A_165 = vector.load %arg4[%swap3A_162, %swap3A_163, %swap3A_164] : memref<16x2000x128xf32, #tpu.memory_space<vmem>>, vector<1x2000x128xf32>
    %swap3A_166 = vector.shape_cast %swap3A_165 : vector<1x2000x128xf32> to vector<2000x128xf32>
    %swap3A_167 = vector.shape_cast %dot_general3A_161 : vector<2000x128xf32> to vector<1x2000x128xf32>
    tpu.vector_store %arg4[%swap3A_162, %swap3A_163, %swap3A_164], %swap3A_167 {strides = array<i32>} : memref<16x2000x128xf32, #tpu.memory_space<vmem>>, vector<1x2000x128xf32>,
    return
  }
  func.func @transform_0(%arg0: i32) -> (i32, i32) {
    %c0_i32 = arith.constant 0 : i32
    %c0_i32_0 = arith.constant 0 : i32
    return %arg0, %c0_i32 : i32, i32
  }
  func.func @transform_1(%arg0: i32) -> (i32, i32, i32) {
    %c0_i32 = arith.constant 0 : i32
    %c0_i32_0 = arith.constant 0 : i32
    %c0_i32_1 = arith.constant 0 : i32
    %c0_i32_2 = arith.constant 0 : i32
    return %c0_i32, %c0_i32_0, %c0_i32_1 : i32, i32, i32
  }
  func.func @transform_2(%arg0: i32) -> (i32, i32) {
    %c0_i32 = arith.constant 0 : i32
    %c0_i32_0 = arith.constant 0 : i32
    %c0_i32_1 = arith.constant 0 : i32
    return %c0_i32, %c0_i32_0 : i32, i32
  }
  func.func @transform_3(%arg0: i32) -> (i32, i32, i32) {
    %c0_i32 = arith.constant 0 : i32
    %c0_i32_0 = arith.constant 0 : i32
    %c0_i32_1 = arith.constant 0 : i32
    return %c0_i32, %arg0, %c0_i32_0 : i32, i32, i32
  }
}

module attributes {stable_mosaic.version = 14 : i64} {
  func.func @_combine_body(%arg0: i32, %arg1: memref<2x2000x128xf32, #tpu.memory_space<vmem>>, %arg2: memref<2000x128xf32, #tpu.memory_space<vmem>>, %arg3: memref<128x128xf32, #tpu.memory_space<vmem>>, %arg4: memref<8x128xf32, #tpu.memory_space<vmem>>, %arg5: memref<2000x128xf32, #tpu.memory_space<vmem>>) attributes {dimension_semantics = [#tpu.dimension_semantics<arbitrary>], iteration_bounds = array<i64: 5>, scalar_prefetch = 0 : i64, scratch_operands = 0 : i64, tpu.core_type = #tpu.core_type<tc>, window_params = [{transform_indices = @transform_0, window_bounds = array<i64: 2, 2000, 128>}, {transform_indices = @transform_1, window_bounds = array<i64: 2000, 128>}, {pipeline_mode = #tpu.pipeline_mode<synchronous>, transform_indices = @transform_2, window_bounds = array<i64: 128, 128>}, {pipeline_mode = #tpu.pipeline_mode<synchronous>, transform_indices = @transform_3, window_bounds = array<i64: 8, 128>}, {transform_indices = @transform_4, window_bounds = array<i64: 2000, 128>}]} {
    %get3A = arith.constant 0 : index
    %get3A_0 = arith.constant 0 : index
    %get3A_1 = vector.load %arg2[%get3A, %get3A_0] : memref<2000x128xf32, #tpu.memory_space<vmem>>, vector<2000x128xf32>
    %get3A_2 = arith.constant 0 : index
    %get3A_3 = arith.constant 0 : index
    %get3A_4 = vector.load %arg3[%get3A_2, %get3A_3] : memref<128x128xf32, #tpu.memory_space<vmem>>, vector<128x128xf32>
    %dot_general3A = arith.constant dense<0.000000e+00> : vector<2000x128xf32>
    %dot_general3A_5 = tpu.matmul %get3A_1, %get3A_4, %dot_general3A {dimension_numbers = #tpu.dot_dimension_numbers<[1], [0], [0], [1], [0, 0, 1, 1], [], []>, transpose_lhs_hint = false} : vector<2000x128xf32>, vector<128x128xf32>, vector<2000x128xf32> -> vector<2000x128xf32>
    %get3A_6 = arith.constant 0 : index
    %get3A_7 = arith.constant 0 : index
    %get3A_8 = arith.constant 0 : index
    %get3A_9 = vector.load %arg1[%get3A_6, %get3A_7, %get3A_8] : memref<2x2000x128xf32, #tpu.memory_space<vmem>>, vector<1x2000x128xf32>
    %get3A_10 = vector.shape_cast %get3A_9 : vector<1x2000x128xf32> to vector<2000x128xf32>
    %get3A_11 = arith.constant 1 : index
    %get3A_12 = arith.constant 0 : index
    %get3A_13 = arith.constant 0 : index
    %get3A_14 = vector.load %arg1[%get3A_11, %get3A_12, %get3A_13] : memref<2x2000x128xf32, #tpu.memory_space<vmem>>, vector<1x2000x128xf32>
    %get3A_15 = vector.shape_cast %get3A_14 : vector<1x2000x128xf32> to vector<2000x128xf32>
    %add3A = arith.addf %get3A_10, %get3A_15 : vector<2000x128xf32>
    %add3A_16 = arith.addf %add3A, %dot_general3A_5 : vector<2000x128xf32>
    %get3A_17 = arith.constant 0 : index
    %get3A_18 = arith.constant 0 : index
    %get3A_19 = vector.load %arg4[%get3A_17, %get3A_18] : memref<8x128xf32, #tpu.memory_space<vmem>>, vector<1x128xf32>
    %get3A_20 = vector.shape_cast %get3A_19 : vector<1x128xf32> to vector<128xf32>
    %broadcast_in_dim3A = vector.shape_cast %get3A_20 : vector<128xf32> to vector<1x128xf32>
    %add3A_21 = vector.broadcast %broadcast_in_dim3A : vector<1x128xf32> to vector<2000x128xf32>
    %add3A_22 = arith.addf %add3A_16, %add3A_21 : vector<2000x128xf32>
    %swap3A = arith.constant 0 : index
    %swap3A_23 = arith.constant 0 : index
    %swap3A_24 = vector.load %arg5[%swap3A, %swap3A_23] : memref<2000x128xf32, #tpu.memory_space<vmem>>, vector<2000x128xf32>
    tpu.vector_store %arg5[%swap3A, %swap3A_23], %add3A_22 {strides = array<i32>} : memref<2000x128xf32, #tpu.memory_space<vmem>>, vector<2000x128xf32>,
    return
  }
  func.func @transform_0(%arg0: i32) -> (i32, i32, i32) {
    %c0_i32 = arith.constant 0 : i32
    %c0_i32_0 = arith.constant 0 : i32
    %c0_i32_1 = arith.constant 0 : i32
    return %c0_i32, %arg0, %c0_i32_0 : i32, i32, i32
  }
  func.func @transform_1(%arg0: i32) -> (i32, i32) {
    %c0_i32 = arith.constant 0 : i32
    %c0_i32_0 = arith.constant 0 : i32
    return %arg0, %c0_i32 : i32, i32
  }
  func.func @transform_2(%arg0: i32) -> (i32, i32) {
    %c0_i32 = arith.constant 0 : i32
    %c0_i32_0 = arith.constant 0 : i32
    %c0_i32_1 = arith.constant 0 : i32
    return %c0_i32, %c0_i32_0 : i32, i32
  }
  func.func @transform_3(%arg0: i32) -> (i32, i32) {
    %c0_i32 = arith.constant 0 : i32
    %c0_i32_0 = arith.constant 0 : i32
    %c0_i32_1 = arith.constant 0 : i32
    return %c0_i32, %c0_i32_0 : i32, i32
  }
  func.func @transform_4(%arg0: i32) -> (i32, i32) {
    %c0_i32 = arith.constant 0 : i32
    %c0_i32_0 = arith.constant 0 : i32
    return %arg0, %c0_i32 : i32, i32
  }
}

</mosaic_0001>

<sc_bundles>
// kernel: kernel.5.cloned.1.call-start
scs
__scs_entry_jumppad:
0x0: {  	(pc) =	sbr.rel $0x88, $3  }
0x1: {  	(tag) =	ssettag $0x0;
	lr =	simm.s32 $0x1  }
0x2: {  	[smem:$0x3F9A] =	sst lr;
	_ =	strace $0xD0000000  }
0x3: {  	_ = 	snop  }
0x4: {  	_ = 	snop  }
0x5: {  	_ = 	snop  }
0x6: {  	_ = 	snop  }
0x7: {  	_ = 	snop  }
__scs_overlays_trampoline_lowered:
0x8: {  	[smem:$0x3FA9] =	sst s0  }
0x9: {  	[smem:$0x3FAA] =	sst s1  }
0xa: {  	[smem:$0x3FAB] =	sst s2  }
0xb: {  	[smem:$0x3FAC] =	sst s3  }
0xc: {  	[smem:$0x3FAD] =	sst s4  }
0xd: {  	[smem:$0x3FAE] =	sst s5  }
0xe: {  	[smem:$0x3FAF] =	sst s6  }
0xf: {  	[smem:$0x3FB0] =	sst s7  }
0x10: {  	[smem:$0x3FB1] =	sst s8  }
0x11: {  	[smem:$0x3FB2] =	sst s9;
	s0 =	simm.s32 @!p0 $0x0  }
0x12: {  	s1 =	sld [smem:$0x3F98];
	s0 =	simm.s32 @p0 $0x1  }
0x13: {  	[smem:$0x3FB3] =	sst s0;
	s0 =	simm.s32 @!p1 $0x0  }
0x14: {  	s2 =	sld [smem:$0x3F97];
	s0 =	simm.s32 @p1 $0x1  }
0x15: {  	[smem:$0x3FB4] =	sst s0;
	s0 =	simm.s32 @!p2 $0x0  }
0x16: {  	s3 =	sld [smem:$0x3FDB];
	s0 =	simm.s32 @p2 $0x1  }
0x17: {  	s4 =	simm.s32 $0x1BF5;
	[smem:$0x3FB6] =	sst s0  }
0x18: {  	s0 =	sld [smem:$0x3F99];
	_ =	swait.ge [sflag:s4], $0x0  }
0x19: {  	s7 =	sld [smem:$0x3F9A]  }
0x1a: {  	s8 =	sadd.s32 $0xFFFFE003, lr  }
0x1b: {  	s9 =	sadd.s32 $0xFFFFFEF7, lr;
	s5 =	simm.s32 $0xFFFFFFFF;
	p2 =	slt.u32 s8, $0xFFFFF086  }
0x1c: {  	p1 =	slt.u32 s9, $0xF7A;
	s5 =	simm.s32 @!p2 $0x0  }
0x1d: {  	s5 =	simm.s32 @p1 $0x1;
	p0 =	seq.s32 s7, s2  }
0x1e: {  	s7 =	smul.u32 @!p0 $0xF7A, s2;
	p2 =	seq.s32 @!p0 s5, $0x0  }
0x1f: {  	s9 =	smul.u32 $0xF7A, s1;
	s8 =	simm.s32 @!p0 $0x1BF5;
	p2 =	por !p2, p0  }
0x20: {  	[sflag:s8] =	ssyncset.s32 @!p0 $0xFFFFF086;
	s6 =	sadd.s32 @!p0 s3, s7;
	s7 =	simm.s32 @!p0 $0x108  }
0x21: {  	s3 =	sadd.s32 s3, s9;
	s6 =	sadd.s32 @!p0 $0x88, s6;
	s7 =	simm.s32 @p2 $0x1082  }
0x22: {  	[simem:s7], [sflag:s8] =	dma.local @!p0 [hbm:s6], $0xF7A  }
0x23: {  	s9 =	sor.u32 $0xD0000000, s2;
	s6 =	simm.s32 $0x108;
	_ =	swait.ge @!p0 [sflag:s8], $0x0  }
0x24: {  	s3 =	sadd.s32 $0x88, s3;
	s6 =	simm.s32 @!p1 $0x1082;
	[sflag:s4] =	ssyncset.s32 $0xFFFFF086  }
0x25: {  	[simem:s6], [sflag:s4] =	dma.local [hbm:s3], $0xF7A  }
0x26: {  	[smem:$0x3F9A] =	sst s1;
	(tag) =	ssettag s2;
	_ =	strace s9  }
0x27: {  	s1 =	sld [smem:$0x3FAA]  }
0x28: {  	s2 =	sld [smem:$0x3FAB]  }
0x29: {  	s4 =	sld [smem:$0x3FAD]  }
0x2a: {  	p0 =	seq.s32 s5, $0x0;
	s5 =	sld [smem:$0x3FAE]  }
0x2b: {  	s6 =	sld [smem:$0x3FAF]  }
0x2c: {  	s7 =	sld [smem:$0x3FB0]  }
0x2d: {  	s3 =	simm.s32 $0x108;
	s8 =	sld [smem:$0x3FB1]  }
0x2e: {  	s3 =	simm.s32 @!p0 $0x1082;
	s9 =	sld [smem:$0x3FB2]  }
0x2f: {  	lr =	sadd.s32 s0, s3;
	s0 =	sld [smem:$0x3FA9]  }
0x30: {  	s3 =	sld [smem:$0x3FAC]  }
0x31: {  	[smem:$0x3FB5] =	sst s10  }
0x32: {  	s10 =	sld [smem:$0x3FB3];
	_ =	sdelay $0x3  }
0x33: {  	p0 =	seq.s32 s10, $0x1;
	s10 =	sld [smem:$0x3FB5];
	_ =	sdelay $0x3  }
0x34: {  	[smem:$0x3FB5] =	sst s10  }
0x35: {  	s10 =	sld [smem:$0x3FB4];
	_ =	sdelay $0x3  }
0x36: {  	p1 =	seq.s32 s10, $0x1;
	s10 =	sld [smem:$0x3FB5];
	_ =	sdelay $0x3  }
0x37: {  	[smem:$0x3FB5] =	sst s10  }
0x38: {  	s10 =	sld [smem:$0x3FB6]  }
0x39: {  	_ = 	snop;
	(pc) =	sbr.ind lr, $3  }
0x3a: {  	_ = 	snop  }
0x3b: {  	_ = 	snop  }
0x3c: {  	p2 =	seq.s32 s10, $0x1;
	s10 =	sld [smem:$0x3FB5]  }
0x3d: {  	_ =	shalt  }
0x3e: {  	_ =	shalt  }
0x3f: {  	_ =	shalt  }
0x40: {  	_ =	shalt  }
0x41: {  	_ =	shalt  }
0x42: {  	_ =	shalt  }
0x43: {  	_ =	shalt  }
0x44: {  	_ =	shalt  }
0x45: {  	_ =	shalt  }
0x46: {  	_ =	shalt  }
0x47: {  	_ =	shalt  }
0x48: {  	_ =	shalt  }
0x49: {  	_ =	shalt  }
0x4a: {  	_ =	shalt  }
0x4b: {  	_ =	shalt  }
0x4c: {  	_ =	shalt  }
0x4d: {  	_ =	shalt  }
0x4e: {  	_ =	shalt  }
0x4f: {  	_ =	shalt  }
0x50: {  	_ =	shalt  }
0x51: {  	_ =	shalt  }
0x52: {  	_ =	shalt  }
0x53: {  	_ =	shalt  }
0x54: {  	_ =	shalt  }
0x55: {  	_ =	shalt  }
0x56: {  	_ =	shalt  }
0x57: {  	_ =	shalt  }
0x58: {  	_ =	shalt  }
0x59: {  	_ =	shalt  }
0x5a: {  	_ =	shalt  }
0x5b: {  	_ =	shalt  }
0x5c: {  	_ =	shalt  }
0x5d: {  	_ =	shalt  }
0x5e: {  	_ =	shalt  }
0x5f: {  	_ =	shalt  }
0x60: {  	_ =	shalt  }
0x61: {  	_ =	shalt  }
0x62: {  	_ =	shalt  }
0x63: {  	_ =	shalt  }
0x64: {  	_ =	shalt  }
0x65: {  	_ =	shalt  }
0x66: {  	_ =	shalt  }
0x67: {  	_ =	shalt  }
0x68: {  	_ =	shalt  }
0x69: {  	_ =	shalt  }
0x6a: {  	_ =	shalt  }
0x6b: {  	_ =	shalt  }
0x6c: {  	_ =	shalt  }
0x6d: {  	_ =	shalt  }
0x6e: {  	_ =	shalt  }
0x6f: {  	_ =	shalt  }
0x70: {  	_ =	shalt  }
0x71: {  	_ =	shalt  }
0x72: {  	_ =	shalt  }
0x73: {  	_ =	shalt  }
0x74: {  	_ =	shalt  }
0x75: {  	_ =	shalt  }
0x76: {  	_ =	shalt  }
0x77: {  	_ =	shalt  }
0x78: {  	_ =	shalt  }
0x79: {  	_ =	shalt  }
0x7a: {  	_ =	shalt  }
0x7b: {  	_ =	shalt  }
0x7c: {  	_ =	shalt  }
0x7d: {  	_ =	shalt  }
0x7e: {  	_ =	shalt  }
0x7f: {  	_ =	shalt  }
0x80: {  	_ =	shalt  }
0x81: {  	_ =	shalt  }
0x82: {  	_ =	shalt  }
0x83: {  	_ =	shalt  }
0x84: {  	_ =	shalt  }
0x85: {  	_ =	shalt  }
0x86: {  	_ =	shalt  }
0x87: {  	_ =	shalt  }
.Lfunc_end0:
.L_simem_size_0:
called_computation_lowered:
.L_overlay_start_0:
0x88: {  	s2 =	sld [smem:$0x3FD9]  }
0x89: {  	s3 =	sld [smem:$0x3FFE];
	_ =	sdelay $0x1  }
0x8a: {  	s1 =	srdreg.scid  }
0x8b: {  	s0 =	sand.u32 $0x1, s1  }
0x8c: {  	s17 =	sshll.u32 s0, $0xA;
	s2 =	sadd.s32 s3, s2  }
0x8d: {  	s2 =	sadd.s32 s2, s17  }
0x8e: {  	[smem:$0x3FC1] =	sst s2  }
0x8f: {  	_ = 	snop  }
0x90: {  	s2 =	sld [smem:$0x3FD0];
	(tm) =	ssettm $0x1  }
0x91: {  	s18 =	sld [smem:$0x3FFB];
	_ =	sdelay $0x3  }
0x92: {  	_ =	strace s18  }
0x93: {  	s3 =	sld [smem:$0x3FFC];
	_ =	sdelay $0x3  }
0x94: {  	_ =	strace s3  }
0x95: {  	s3 =	sld [smem:$0x3FFD];
	_ =	sdelay $0x3  }
0x96: {  	_ =	strace s3  }
0x97: {  	_ =	strace $0x8FFFFFFF  }
0x98: {  	s19 =	sld [smem:$0x3FDB];
	_ =	sdelay $0x1  }
0x99: {  	s4 =	simm.s32 $_scs_section_size  }
0x9a: {  	s5 =	simm.s32 $_size__tile_overlayer_lowered;
	s6 =	simm.s32 $_tile_overlayer_lowered  }
0x9b: {  	s22 =	simm.s32 $0x1BFF;
	s21 =	sshll.u32 s6, $0x1;
	s3 =	sadd.s32 s4, s19  }
0x9c: {  	s7 =	simm.s32 $0x0;
	s20 =	sshll.u32 s5, $0x1;
	s5 =	sadd.s32 s21, s3  }
0x9d: {  	[timem:s7], [sflag:s22] =	dma.local [hbm:s5], s20  }
0x9e: {  	_ =	swait.ge [sflag:s22], s20  }
0x9f: {  	s4 =	ssub.s32 $0x0, s20;
	[sflag:s22] =	ssyncset.done $0x0  }
0xa0: {  	[sflag:s22] =	ssyncadd.s32 s4;
	_ =	sdelay $0x1  }
0xa1: {  	s23 =	simm.s32 $0x1B8B  }
0xa2: {  	_ =	swait.ge [sflag:s23], $0x1  }
0xa3: {  	[sflag:s23] =	ssyncset.done $0x0  }
0xa4: {  	s25 =	simm.s32 $0x1B8E;
	s24 =	sld [smem:$0x3FFE];
	[sflag:s23] =	ssyncadd.s32 $0xFFFFFFFF  }
0xa5: {  	s26 =	simm.s32 $execute0_lowered;
	[smem:$0x3FD2] =	sst s25  }
0xa6: {  	s5 =	sshll.u32 s26, $0x1;
	_ =	strace $0x80000046;
	[dreg:$0x1] =	wrdreg $0xFFFFFFFF  }
0xa7: {  	s28 =	simm.s32 $_size_execute0_lowered;
	s3 =	sadd.s32 s3, s5;
	[dreg:$0x0] =	wrdreg $0x0  }
0xa8: {  	s5 =	sshll.u32 s28, $0x1;
	[dreg:$0x2] =	wrdreg s3  }
0xa9: {  	[dreg:$0x3] =	wrdreg s5  }
0xaa: {  	[dreg:$0x4] =	wrdreg $0xC0  }
0xab: {  	_ =	task [dreg:s7], $0x5FFFF  }
0xac: {  	[dreg:$0x1] =	wrdreg $0xFFFFFFFF  }
0xad: {  	[dreg:$0x0] =	wrdreg $0x60  }
0xae: {  	[dreg:$0x2] =	wrdreg s24  }
0xaf: {  	[dreg:$0x3] =	wrdreg s2  }
0xb0: {  	[dreg:$0x4] =	wrdreg $0x84000  }
0xb1: {  	[dreg:$0x5] =	wrdreg $0x9  }
0xb2: {  	_ =	task.clear_ibuf [dreg:s7], $0x6FFFF;
	_ =	strace $0x90000046  }
0xb3: {  	s29 =	simm.s32 $0x9;
	_ =	strace $0x80000048  }
0xb4: {  	_ =	swait.ge [sflag:s29], $0x1  }
0xb5: {  	[sflag:s29] =	ssyncadd.s32 $0xFFFFFFFF  }
0xb6: {  	_ =	strace $0x90000048  }
0xb7: {  	_ =	sfence  }
0xb8: {  	s30 =	sld [smem:$0x0];
	_ =	sdelay $0x2  }
0xb9: {  	s31 =	sshll.u32 s1, $0xD;
	s1 =	sshrl.u32 s1, $0x2  }
0xba: {  	s3 =	sand.u32 $0x4000, s31;
	s1 =	sadd.s32 s1, s30  }
0xbb: {  	s0 =	sor.u32 s3, s0;
	s1 =	sshll.u32 s1, $0x11  }
0xbc: {  	s0 =	sor.u32 s1, s0  }
0xbd: {  	s0 =	sadd.s32 $0x8F2B, s0  }
0xbe: {  	[sflag:s0] =	ssyncadd.remote.s32 $0x1  }
0xbf: {  	_ =	sfence.sel $0xFFFF  }
0xc0: {  	[dreg:$0x0] =	wrdreg $0xFFFFFFFF;
	(pc) =	sbr.abs _section_cstart, $3  }
0xc1: {  	[dreg:$0x1] =	wrdreg $0xFFFFFFFF  }
0xc2: {  	_ =	task.clear_ibuf [dreg:s7], $0x2FFFF;
	_ =	strace $0x9FFFFFFF  }
0xc3: {  	(tm) =	ssettm $0x7FFFFFFF  }
tec
execute0_lowered:
.L_overlay_start_1:
0x0: {  	(tag) =	ssettag $0x1  }
0x1: {  	s1 =	rddreg [dreg:$0x0];
	s2 =	srdreg.scid  }
0x2: {  	s0 =	rddreg [dreg:$0x1];
	s12 =	stileid.u32  }
0x3: {  	s3 =	simm.s32 $0x0;
	s28 =	simm.s32 $0x300;
	s29 =	simm.s32 $0x380  }
0x4: {  	s30 =	simm.s32 $0x1;
	s31 =	simm.s32 $0x2;
	s5 =	smul.u32 $0x14000, s12  }
0x5: {  	s6 =	sand.u32 $0x1, s2;
	s2 =	rddreg [dreg:$0x2];
	s7 =	smul.u32 $0x50000, s12  }
0x6: {  	[smem:$0x7FF] =	sst s3;
	s8 =	sadd.s32 $0x1000, s1;
	s4 =	smul.u32 $0x140000, s6  }
0x7: {  	s15 =	sshll.u32 s12, $0x1;
	s20 =	smul.u32 $0x5000, s12;
	_ =	strace $0x80000047  }
0x8: {  	s9 =	ssub.s32 $0x2, s6;
	s11 =	sor.u32 s6, s15;
	s4 =	sadd.s32 s5, s4  }
0x9: {  	s6 =	smul.u32 $0x2800, s6;
	s7 =	sshrl.u32 s7, $0x2;
	s5 =	sshrl.u32 s4, $0x3  }
0xa: {  	s4 =	sadd.s32 $0xB000, s1;
	s1 =	sadd.s32 s5, s1;
	s5 =	sadd.s32 s7, s2  }
0xb: {  	s10 =	sshrl.u32 s9, $0x1;
	s17 =	smul.u32 $0x2800, s11;
	s16 =	sadd.s32 $0x4000, s5  }
0xc: {  	s6 =	sadd.s32 s6, s20;
	s18 =	sadd.s32 $0x8000, s5;
	[dreg:$0xc] =	wrdreg s16  }
0xd: {  	s7 =	ssub.s32 s9, s10;
	s19 =	sadd.s32 $0xC000, s5;
	[dreg:$0xd] =	wrdreg s18  }
0xe: {  	s9 =	sshrl.u32 s17, $0x3;
	s21 =	sadd.s32 $0x10000, s5;
	[dreg:$0xe] =	wrdreg s19  }
0xf: {  	s15 =	sor.u32 $0x380, s6;
	s22 =	sadd.s32 s0, s9;
	[dreg:$0xf] =	wrdreg s21  }
0x10: {  	s23 =	sadd.s32 s8, s9;
	s24 =	sor.u32 $0x10, s9;
	[dreg:$0x10] =	wrdreg s22  }
0x11: {  	s10 =	sshrl.u32 s15, $0x3;
	[dreg:$0x11] =	wrdreg s23;
	s25 =	sadd.s32 s0, s24  }
0x12: {  	s26 =	sor.u32 $0x20, s9;
	s13 =	sadd.s32 s8, s24;
	[dreg:$0x12] =	wrdreg s25  }
0x13: {  	s9 =	sor.u32 $0x30, s9;
	s14 =	sadd.s32 s0, s26;
	[dreg:$0x13] =	wrdreg s13  }
0x14: {  	s16 =	sadd.s32 s8, s26;
	s17 =	sadd.s32 s0, s9;
	[dreg:$0x14] =	wrdreg s14  }
0x15: {  	s18 =	sadd.s32 s10, s8;
	s19 =	sor.u32 $0x300, s6;
	[dreg:$0x15] =	wrdreg s16  }
0x16: {  	s10 =	sadd.s32 s10, s0;
	s22 =	sor.u32 $0x280, s6;
	[dreg:$0x16] =	wrdreg s17  }
0x17: {  	s6 =	sor.u32 $0x200, s6;
	[dreg:$0x4] =	wrdreg s18;
	s20 =	sshrl.u32 s19, $0x3  }
0x18: {  	[dreg:$0x5] =	wrdreg s10;
	s24 =	sshrl.u32 s22, $0x3;
	s6 =	sshrl.u32 s6, $0x3  }
0x19: {  	s17 =	sadd.s32 s8, s9;
	s18 =	sadd.s32 $0x27C000, s1;
	s21 =	sadd.s32 s20, s8  }
0x1a: {  	s19 =	smax.u32 s7, $0x1;
	s23 =	sadd.s32 s20, s0;
	[dreg:$0x6] =	wrdreg s21  }
0x1b: {  	s22 =	simm.s32 $0x80;
	s25 =	sadd.s32 s24, s8;
	[dreg:$0x7] =	wrdreg s23  }
0x1c: {  	s1 =	simm.s32 $0x4400;
	s26 =	sadd.s32 s24, s0;
	[dreg:$0x8] =	wrdreg s25  }
0x1d: {  	s7 =	simm.s32 $0x6;
	s8 =	sadd.s32 s6, s8;
	[dreg:$0x9] =	wrdreg s26  }
0x1e: {  	s0 =	sadd.s32 s6, s0;
	s20 =	simm.s32 $0x400;
	[dreg:$0xa] =	wrdreg s8  }
0x1f: {  	s24 =	simm.s32 $0x180;
	s6 =	simm.s32 $0x3;
	[dreg:$0xb] =	wrdreg s0  }
0x20: {  	s21 =	simm.s32 $0x7;
	s23 =	simm.s32 $0x100;
	s25 =	simm.s32 $0x200  }
0x21: {  	v0 =	vimm.f32 $0.0e+00;
	s26 =	simm.s32 $0x280;
	s0 =	simm.s32 $0x5;
	s8 =	simm.s32 $0x4  }
.LBB2_1:
0x22: {  	s9 =	simm.s32 $0x0;
	s10 =	simm.s32 $0x200  }
.LBB2_2:
0x23: {  	p0 =	sne.s32 s10, $0xFE00;
	[tilespmem:s9+$0x470] =	vst v0  }
0x24: {  	[tilespmem:s9+$0x400] =	vst v0  }
0x25: {  	[tilespmem:s9+$0x410] =	vst v0  }
.Ltmp0:
0x26: {  	[tilespmem:s9+$0x420] =	vst v0;
	(pc) =	sbr.rel @p0 .LBB2_2-.Ltmp0, $4  }
0x27: {  	[tilespmem:s9+$0x430] =	vst v0  }
0x28: {  	[tilespmem:s9+$0x440] =	vst v0  }
0x29: {  	[tilespmem:s9+$0x450] =	vst v0  }
0x2a: {  	[tilespmem:s9+$0x460] =	vst v0;
	s9 =	sshra.s32 s10, $0x2;
	s10 =	sadd.s32 $0x200, s10  }
0x2b: {  	[tilespmem:s9+$0x470] =	vst v0  }
0x2c: {  	[tilespmem:s9+$0x400] =	vst v0  }
0x2d: {  	[tilespmem:s9+$0x410] =	vst v0  }
0x2e: {  	[tilespmem:s9+$0x420] =	vst v0  }
0x2f: {  	[tilespmem:s9+$0x430] =	vst v0  }
0x30: {  	[tilespmem:s9+$0x440] =	vst v0  }
0x31: {  	[tilespmem:s9+$0x450] =	vst v0  }
0x32: {  	[tilespmem:s9+$0x460] =	vst v0  }
0x33: {  	[spmem:s5] =	stream.linear.scatter [tilespmem:s20], [sflag:$0x7], $0x4000, $0x38;
	[tilespmem:$0x1C400] =	vst v63  }
0x34: {  	_ =	swait.ge [sflag:s21], $0x4000  }
0x35: {  	[sflag:s21] =	ssyncset.done $0x0  }
0x36: {  	s14 =	rddreg [dreg:$0xc];
	[sflag:s21] =	ssyncadd.s32 $0xFFFFC000  }
0x37: {  	[spmem:s14] =	stream.linear.scatter [tilespmem:s20], [sflag:$0x7], $0x4000, $0x38;
	[tilespmem:$0x1C400] =	vst v63  }
0x38: {  	_ =	swait.ge [sflag:s21], $0x4000  }
0x39: {  	[sflag:s21] =	ssyncset.done $0x0  }
0x3a: {  	s15 =	rddreg [dreg:$0xd];
	[sflag:s21] =	ssyncadd.s32 $0xFFFFC000  }
0x3b: {  	[spmem:s15] =	stream.linear.scatter [tilespmem:s20], [sflag:$0x7], $0x4000, $0x38;
	[tilespmem:$0x1C400] =	vst v63  }
0x3c: {  	_ =	swait.ge [sflag:s21], $0x4000  }
0x3d: {  	[sflag:s21] =	ssyncset.done $0x0  }
0x3e: {  	s16 =	rddreg [dreg:$0xe];
	[sflag:s21] =	ssyncadd.s32 $0xFFFFC000  }
0x3f: {  	[spmem:s16] =	stream.linear.scatter [tilespmem:s20], [sflag:$0x7], $0x4000, $0x38;
	[tilespmem:$0x1C400] =	vst v63  }
0x40: {  	_ =	swait.ge [sflag:s21], $0x4000  }
0x41: {  	[sflag:s21] =	ssyncset.done $0x0  }
0x42: {  	s10 =	rddreg [dreg:$0xf];
	[sflag:s21] =	ssyncadd.s32 $0xFFFFC000  }
0x43: {  	[spmem:s10] =	stream.linear.scatter [tilespmem:s20], [sflag:$0x7], $0x4000, $0x38;
	[tilespmem:$0x1C400] =	vst v63  }
0x44: {  	_ =	swait.ge [sflag:s21], $0x4000  }
0x45: {  	[sflag:s21] =	ssyncset.done $0x0  }
0x46: {  	[sflag:s21] =	ssyncadd.s32 $0xFFFFC000  }
0x47: {  	[bflag:$0x0] =	sbarrier.arrive $0xFFFF  }
0x48: {  	s9 =	simm.s32 $0x0;
	s10 =	rddreg [dreg:$0x10]  }
0x49: {  	[tilespmem:s9], [sflag:$0x1] =	stream.linear.gather [hbm4b:s10+s9], $0x80, $0x38;
	[tilespmem:$0x1C400] =	vst v63  }
0x4a: {  	s11 =	rddreg [dreg:$0x11]  }
0x4b: {  	[tilespmem:s22], [sflag:$0x1] =	stream.linear.gather [hbm4b:s11+s9], $0x80, $0x38;
	[tilespmem:$0x1C400] =	vst v63  }
0x4c: {  	s12 =	rddreg [dreg:$0x12]  }
0x4d: {  	[tilespmem:s23], [sflag:$0x2] =	stream.linear.gather [hbm4b:s12+s9], $0x80, $0x38;
	[tilespmem:$0x1C400] =	vst v63  }
0x4e: {  	s13 =	rddreg [dreg:$0x13]  }
0x4f: {  	[tilespmem:s24], [sflag:$0x2] =	stream.linear.gather [hbm4b:s13+s9], $0x80, $0x38;
	[tilespmem:$0x1C400] =	vst v63  }
0x50: {  	s14 =	rddreg [dreg:$0x14]  }
0x51: {  	[tilespmem:s25], [sflag:$0x3] =	stream.linear.gather [hbm4b:s14+s9], $0x80, $0x38;
	[tilespmem:$0x1C400] =	vst v63  }
0x52: {  	s15 =	rddreg [dreg:$0x15]  }
0x53: {  	[tilespmem:s26], [sflag:$0x3] =	stream.linear.gather [hbm4b:s15+s9], $0x80, $0x38;
	[tilespmem:$0x1C400] =	vst v63  }
0x54: {  	s16 =	rddreg [dreg:$0x16]  }
0x55: {  	[tilespmem:s28], [sflag:$0x4] =	stream.linear.gather [hbm4b:s16+s9], $0x80, $0x38;
	[tilespmem:$0x1C400] =	vst v63  }
0x56: {  	_ = 	snop  }
0x57: {  	[tilespmem:s29], [sflag:$0x4] =	stream.linear.gather [hbm4b:s17+s9], $0x80, $0x38;
	[tilespmem:$0x1C400] =	vst v63  }
0x58: {  	_ =	swait.ge [sflag:s30], $0x80  }
0x59: {  	[sflag:s30] =	ssyncset.done $0x0  }
0x5a: {  	[sflag:s30] =	ssyncadd.s32 $0xFFFFFF80  }
0x5b: {  	_ =	swait.ge [sflag:s30], $0x80  }
0x5c: {  	[sflag:s30] =	ssyncset.done $0x0  }
0x5d: {  	[sflag:s30] =	ssyncadd.s32 $0xFFFFFF80  }
0x5e: {  	[tilespmem:s20], [sflag:$0x5] =	stream.indirect.gather [hbm4b:s4+s22], $0x80, s9, s22, $0xb8;
	[tilespmem:$0x1C400] =	vst v63  }
0x5f: {  	_ =	swait.ge [sflag:s31], $0x80  }
0x60: {  	[sflag:s31] =	ssyncset.done $0x0  }
0x61: {  	[sflag:s31] =	ssyncadd.s32 $0xFFFFFF80  }
0x62: {  	_ =	swait.ge [sflag:s31], $0x80  }
0x63: {  	[sflag:s31] =	ssyncset.done $0x0  }
0x64: {  	[sflag:s31] =	ssyncadd.s32 $0xFFFFFF80  }
0x65: {  	[tilespmem:s1], [sflag:$0x6] =	stream.indirect.gather [hbm4b:s4+s22], $0x80, s23, s22, $0xb8;
	[tilespmem:$0x1C400] =	vst v63  }
0x66: {  	_ =	swait.ge [sflag:s0], $0x4000  }
0x67: {  	[sflag:s0] =	ssyncset.done $0x0  }
0x68: {  	[sflag:s0] =	ssyncadd.s32 $0xFFFFC000  }
0x69: {  	[spmem:s2] =	stream.indirect.scatter.add.f32 [tilespmem:s20], [sflag:$0x7], $0x80, s22, s22, $0xb8;
	[tilespmem:$0x1C400] =	vst v63  }
0x6a: {  	_ =	swait.ge [sflag:s21], $0x4000  }
0x6b: {  	s10 =	rddreg [dreg:$0xb]  }
0x6c: {  	p0 =	por $0x0, $0x0;
	[sflag:s21] =	ssyncset.done $0x0;
	s11 =	rddreg [dreg:$0xa]  }
0x6d: {  	[sflag:s21] =	ssyncadd.s32 $0xFFFFC000;
	s12 =	sadd.s32 @!p0 $0x0, s10;
	s10 =	simm.s32 @!p0 $0x0  }
0x6e: {  	[tilespmem:s10], [sflag:$0x1] =	stream.linear.gather @!p0 [hbm4b:s12+s10], $0x80, $0x38;
	[tilespmem:$0x1C400] =	vst v63  }
0x6f: {  	s11 =	sadd.s32 @!p0 $0x0, s11;
	s12 =	simm.s32 @!p0 $0x80  }
0x70: {  	[tilespmem:s12], [sflag:$0x1] =	stream.linear.gather @!p0 [hbm4b:s11+s10], $0x80, $0x38;
	[tilespmem:$0x1C400] =	vst v63  }
0x71: {  	_ =	swait.ge [sflag:s6], $0x80  }
0x72: {  	[sflag:s6] =	ssyncset.done $0x0  }
0x73: {  	[sflag:s6] =	ssyncadd.s32 $0xFFFFFF80  }
0x74: {  	_ =	swait.ge [sflag:s6], $0x80  }
0x75: {  	[sflag:s6] =	ssyncset.done $0x0  }
0x76: {  	[sflag:s6] =	ssyncadd.s32 $0xFFFFFF80  }
0x77: {  	[tilespmem:s20], [sflag:$0x5] =	stream.indirect.gather [hbm4b:s4+s22], $0x80, s25, s22, $0xb8;
	[tilespmem:$0x1C400] =	vst v63  }
0x78: {  	_ =	swait.ge [sflag:s7], $0x4000  }
0x79: {  	[sflag:s7] =	ssyncset.done $0x0  }
0x7a: {  	[sflag:s7] =	ssyncadd.s32 $0xFFFFC000  }
0x7b: {  	[spmem:s2] =	stream.indirect.scatter.add.f32 [tilespmem:s1], [sflag:$0x7], $0x80, s24, s22, $0xb8;
	[tilespmem:$0x1C400] =	vst v63  }
0x7c: {  	_ =	swait.ge [sflag:s21], $0x4000  }
0x7d: {  	s13 =	simm.s32 @!p0 $0x100;
	s11 =	rddreg [dreg:$0x9];
	[sflag:s21] =	ssyncset.done $0x0  }
0x7e: {  	s12 =	rddreg [dreg:$0x8];
	[sflag:s21] =	ssyncadd.s32 $0xFFFFC000;
	s11 =	sadd.s32 @!p0 $0x0, s11  }
0x7f: {  	[tilespmem:s13], [sflag:$0x2] =	stream.linear.gather @!p0 [hbm4b:s11+s10], $0x80, $0x38;
	[tilespmem:$0x1C400] =	vst v63  }
0x80: {  	s11 =	sadd.s32 @!p0 $0x0, s12;
	s12 =	simm.s32 @!p0 $0x180  }
0x81: {  	[tilespmem:s12], [sflag:$0x2] =	stream.linear.gather @!p0 [hbm4b:s11+s10], $0x80, $0x38;
	[tilespmem:$0x1C400] =	vst v63  }
0x82: {  	_ =	swait.ge [sflag:s8], $0x80  }
0x83: {  	[sflag:s8] =	ssyncset.done $0x0  }
0x84: {  	[sflag:s8] =	ssyncadd.s32 $0xFFFFFF80  }
0x85: {  	_ =	swait.ge [sflag:s8], $0x80  }
0x86: {  	[sflag:s8] =	ssyncset.done $0x0  }
0x87: {  	[sflag:s8] =	ssyncadd.s32 $0xFFFFFF80  }
0x88: {  	[tilespmem:s1], [sflag:$0x6] =	stream.indirect.gather [hbm4b:s4+s22], $0x80, s28, s22, $0xb8;
	[tilespmem:$0x1C400] =	vst v63  }
0x89: {  	_ =	swait.ge [sflag:s0], $0x4000  }
0x8a: {  	[sflag:s0] =	ssyncset.done $0x0  }
0x8b: {  	[sflag:s0] =	ssyncadd.s32 $0xFFFFC000  }
0x8c: {  	[spmem:s2] =	stream.indirect.scatter.add.f32 [tilespmem:s20], [sflag:$0x7], $0x80, s26, s22, $0xb8;
	[tilespmem:$0x1C400] =	vst v63  }
0x8d: {  	p1 =	por @!p0 $0x0, $0x0;
	_ =	swait.ge [sflag:s21], $0x4000  }
0x8e: {  	s13 =	simm.s32 @!p0 $0x200;
	s11 =	rddreg [dreg:$0x7];
	[sflag:s21] =	ssyncset.done $0x0  }
0x8f: {  	s12 =	rddreg [dreg:$0x6];
	[sflag:s21] =	ssyncadd.s32 $0xFFFFC000;
	s11 =	sadd.s32 @!p0 $0x0, s11  }
0x90: {  	[tilespmem:s13], [sflag:$0x3] =	stream.linear.gather @!p0 [hbm4b:s11+s10], $0x80, $0x38;
	[tilespmem:$0x1C400] =	vst v63  }
0x91: {  	p2 =	por p1, p0;
	s11 =	sadd.s32 @!p0 $0x0, s12;
	s12 =	simm.s32 @!p0 $0x280  }
0x92: {  	[tilespmem:s12], [sflag:$0x3] =	stream.linear.gather @!p0 [hbm4b:s11+s10], $0x80, $0x38;
	[tilespmem:$0x1C400] =	vst v63  }
0x93: {  	s11 =	simm.s32 @!p2 $0x1  }
0x94: {  	_ =	swait.ge @!p2 [sflag:s11], $0x80  }
0x95: {  	[sflag:s11] =	ssyncset.done @!p2 $0x0  }
0x96: {  	[sflag:s11] =	ssyncadd.s32 @!p2 $0xFFFFFF80  }
0x97: {  	_ =	swait.ge @!p2 [sflag:s11], $0x80  }
0x98: {  	s14 =	simm.s32 @!p2 $0x0;
	[sflag:s11] =	ssyncset.done @!p2 $0x0  }
0x99: {  	s13 =	simm.s32 @!p2 $0x80;
	s12 =	simm.s32 @!p2 $0x400;
	[sflag:s11] =	ssyncadd.s32 @!p2 $0xFFFFFF80  }
0x9a: {  	[tilespmem:s12], [sflag:$0x5] =	stream.indirect.gather @!p2 [hbm4b:s4+s13], $0x80, s14, s13, $0xb8;
	[tilespmem:$0x1C400] =	vst v63  }
0x9b: {  	p3 =	por @!p0 $0x0, $0x0;
	_ =	swait.ge [sflag:s7], $0x4000  }
0x9c: {  	p1 =	por !p1, p0;
	p4 =	por @!p2 $0x1, $0x1;
	[sflag:s7] =	ssyncset.done $0x0  }
0x9d: {  	p4 =	por @!p1 p3, p3;
	[sflag:s7] =	ssyncadd.s32 $0xFFFFC000  }
0x9e: {  	[spmem:s2] =	stream.indirect.scatter.add.f32 [tilespmem:s1], [sflag:$0x7], $0x80, s29, s22, $0xb8;
	[tilespmem:$0x1C400] =	vst v63  }
0x9f: {  	p2 =	por $0x0, $0x0;
	s13 =	simm.s32 @!p0 $0x300;
	_ =	swait.ge [sflag:s21], $0x4000  }
0xa0: {  	p2 =	por @!p0 p4, p4;
	s11 =	rddreg [dreg:$0x5];
	[sflag:s21] =	ssyncset.done $0x0  }
0xa1: {  	s12 =	rddreg [dreg:$0x4];
	[sflag:s21] =	ssyncadd.s32 $0xFFFFC000;
	s11 =	sadd.s32 @!p0 $0x0, s11  }
0xa2: {  	[tilespmem:s13], [sflag:$0x4] =	stream.linear.gather @!p0 [hbm4b:s11+s10], $0x80, $0x38;
	[tilespmem:$0x1C400] =	vst v63  }
0xa3: {  	s12 =	sadd.s32 @!p0 $0x0, s12;
	s13 =	simm.s32 @!p0 $0x380;
	s11 =	simm.s32 @p2 $0x2  }
0xa4: {  	[tilespmem:s13], [sflag:$0x4] =	stream.linear.gather @!p0 [hbm4b:s12+s10], $0x80, $0x38;
	[tilespmem:$0x1C400] =	vst v63  }
0xa5: {  	_ =	swait.ge @p2 [sflag:s11], $0x80  }
0xa6: {  	[sflag:s11] =	ssyncset.done @p2 $0x0  }
0xa7: {  	[sflag:s11] =	ssyncadd.s32 @p2 $0xFFFFFF80  }
0xa8: {  	s14 =	simm.s32 @p2 $0x100;
	s10 =	simm.s32 $0x40;
	_ =	swait.ge @p2 [sflag:s11], $0x80  }
0xa9: {  	s12 =	simm.s32 @p2 $0x4400;
	s13 =	simm.s32 @p2 $0x80;
	[sflag:s11] =	ssyncset.done @p2 $0x0  }
.LBB2_4:
0xaa: {  	[sflag:s11] =	ssyncadd.s32 @p2 $0xFFFFFF80  }
0xab: {  	[tilespmem:s12], [sflag:$0x6] =	stream.indirect.gather @p2 [hbm4b:s4+s13], $0x80, s14, s13, $0xb8;
	[tilespmem:$0x1C400] =	vst v63  }
0xac: {  	_ =	swait.ge [sflag:s0], $0x4000  }
0xad: {  	[sflag:s0] =	ssyncset.done $0x0  }
0xae: {  	[sflag:s0] =	ssyncadd.s32 $0xFFFFC000  }
0xaf: {  	[spmem:s2] =	stream.indirect.scatter.add.f32 [tilespmem:s20], [sflag:$0x7], $0x80, s22, s22, $0xb8;
	[tilespmem:$0x1C400] =	vst v63  }
0xb0: {  	_ =	swait.ge [sflag:s21], $0x4000  }
0xb1: {  	s11 =	smov.u32 s10;
	s12 =	rddreg [dreg:$0xb]  }
0xb2: {  	p1 =	seq.s32 s11, $0x4C0;
	[sflag:s21] =	ssyncset.done $0x0;
	s13 =	rddreg [dreg:$0xa]  }
0xb3: {  	[sflag:s21] =	ssyncadd.s32 $0xFFFFC000;
	s14 =	sadd.s32 @!p1 s11, s12;
	s12 =	simm.s32 @!p1 $0x0  }
0xb4: {  	[tilespmem:s12], [sflag:$0x1] =	stream.linear.gather @!p1 [hbm4b:s14+s12], $0x80, $0x38;
	[tilespmem:$0x1C400] =	vst v63  }
0xb5: {  	s13 =	sadd.s32 @!p1 s11, s13;
	s14 =	simm.s32 @!p1 $0x80  }
0xb6: {  	[tilespmem:s14], [sflag:$0x1] =	stream.linear.gather @!p1 [hbm4b:s13+s12], $0x80, $0x38;
	[tilespmem:$0x1C400] =	vst v63  }
0xb7: {  	_ =	swait.ge [sflag:s6], $0x80  }
0xb8: {  	[sflag:s6] =	ssyncset.done $0x0  }
0xb9: {  	[sflag:s6] =	ssyncadd.s32 $0xFFFFFF80  }
0xba: {  	_ =	swait.ge [sflag:s6], $0x80  }
0xbb: {  	[sflag:s6] =	ssyncset.done $0x0  }
0xbc: {  	[sflag:s6] =	ssyncadd.s32 $0xFFFFFF80  }
0xbd: {  	[tilespmem:s20], [sflag:$0x5] =	stream.indirect.gather [hbm4b:s4+s22], $0x80, s25, s22, $0xb8;
	[tilespmem:$0x1C400] =	vst v63  }
0xbe: {  	_ =	swait.ge [sflag:s7], $0x4000  }
0xbf: {  	[sflag:s7] =	ssyncset.done $0x0  }
0xc0: {  	[sflag:s7] =	ssyncadd.s32 $0xFFFFC000  }
0xc1: {  	[spmem:s2] =	stream.indirect.scatter.add.f32 [tilespmem:s1], [sflag:$0x7], $0x80, s24, s22, $0xb8;
	[tilespmem:$0x1C400] =	vst v63  }
0xc2: {  	_ =	swait.ge [sflag:s21], $0x4000  }
0xc3: {  	s15 =	simm.s32 @!p1 $0x100;
	s13 =	rddreg [dreg:$0x9];
	[sflag:s21] =	ssyncset.done $0x0  }
0xc4: {  	s14 =	rddreg [dreg:$0x8];
	[sflag:s21] =	ssyncadd.s32 $0xFFFFC000;
	s13 =	sadd.s32 @!p1 s11, s13  }
0xc5: {  	[tilespmem:s15], [sflag:$0x2] =	stream.linear.gather @!p1 [hbm4b:s13+s12], $0x80, $0x38;
	[tilespmem:$0x1C400] =	vst v63  }
0xc6: {  	s13 =	sadd.s32 @!p1 s11, s14;
	s14 =	simm.s32 @!p1 $0x180  }
0xc7: {  	[tilespmem:s14], [sflag:$0x2] =	stream.linear.gather @!p1 [hbm4b:s13+s12], $0x80, $0x38;
	[tilespmem:$0x1C400] =	vst v63  }
0xc8: {  	_ =	swait.ge [sflag:s8], $0x80  }
0xc9: {  	[sflag:s8] =	ssyncset.done $0x0  }
0xca: {  	[sflag:s8] =	ssyncadd.s32 $0xFFFFFF80  }
0xcb: {  	_ =	swait.ge [sflag:s8], $0x80  }
0xcc: {  	[sflag:s8] =	ssyncset.done $0x0  }
0xcd: {  	[sflag:s8] =	ssyncadd.s32 $0xFFFFFF80  }
0xce: {  	[tilespmem:s1], [sflag:$0x6] =	stream.indirect.gather [hbm4b:s4+s22], $0x80, s28, s22, $0xb8;
	[tilespmem:$0x1C400] =	vst v63  }
0xcf: {  	_ =	swait.ge [sflag:s0], $0x4000  }
0xd0: {  	[sflag:s0] =	ssyncset.done $0x0  }
0xd1: {  	s9 =	sadd.s32 $0x1, s9;
	[sflag:s0] =	ssyncadd.s32 $0xFFFFC000  }
0xd2: {  	[spmem:s2] =	stream.indirect.scatter.add.f32 [tilespmem:s20], [sflag:$0x7], $0x80, s26, s22, $0xb8;
	[tilespmem:$0x1C400] =	vst v63  }
0xd3: {  	p3 =	sgt.u32 @!p1 s9, $0x12;
	_ =	swait.ge [sflag:s21], $0x4000  }
0xd4: {  	s15 =	simm.s32 @!p1 $0x200;
	s13 =	rddreg [dreg:$0x7];
	[sflag:s21] =	ssyncset.done $0x0  }
0xd5: {  	s14 =	rddreg [dreg:$0x6];
	[sflag:s21] =	ssyncadd.s32 $0xFFFFC000;
	s13 =	sadd.s32 @!p1 s11, s13  }
0xd6: {  	[tilespmem:s15], [sflag:$0x3] =	stream.linear.gather @!p1 [hbm4b:s13+s12], $0x80, $0x38;
	[tilespmem:$0x1C400] =	vst v63  }
0xd7: {  	p4 =	por p3, p1;
	s13 =	sadd.s32 @!p1 s11, s14;
	s14 =	simm.s32 @!p1 $0x280  }
0xd8: {  	[tilespmem:s14], [sflag:$0x3] =	stream.linear.gather @!p1 [hbm4b:s13+s12], $0x80, $0x38;
	[tilespmem:$0x1C400] =	vst v63  }
0xd9: {  	s13 =	simm.s32 @!p4 $0x1  }
0xda: {  	_ =	swait.ge @!p4 [sflag:s13], $0x80  }
0xdb: {  	[sflag:s13] =	ssyncset.done @!p4 $0x0  }
0xdc: {  	[sflag:s13] =	ssyncadd.s32 @!p4 $0xFFFFFF80  }
0xdd: {  	_ =	swait.ge @!p4 [sflag:s13], $0x80  }
0xde: {  	s16 =	simm.s32 @!p4 $0x0;
	[sflag:s13] =	ssyncset.done @!p4 $0x0  }
0xdf: {  	s15 =	simm.s32 @!p4 $0x80;
	s14 =	simm.s32 @!p4 $0x400;
	[sflag:s13] =	ssyncadd.s32 @!p4 $0xFFFFFF80  }
0xe0: {  	[tilespmem:s14], [sflag:$0x5] =	stream.indirect.gather @!p4 [hbm4b:s4+s15], $0x80, s16, s15, $0xb8;
	[tilespmem:$0x1C400] =	vst v63  }
0xe1: {  	s10 =	sadd.s32 $0x40, s10;
	p5 =	por @!p1 $0x0, $0x0;
	_ =	swait.ge [sflag:s7], $0x4000  }
0xe2: {  	p2 =	por !p3, p1;
	p3 =	por @!p4 $0x1, $0x1;
	[sflag:s7] =	ssyncset.done $0x0  }
0xe3: {  	p3 =	por @!p2 p5, p5;
	p2 =	por $0x0, $0x0;
	[sflag:s7] =	ssyncadd.s32 $0xFFFFC000  }
0xe4: {  	[spmem:s2] =	stream.indirect.scatter.add.f32 [tilespmem:s1], [sflag:$0x7], $0x80, s29, s22, $0xb8;
	[tilespmem:$0x1C400] =	vst v63  }
0xe5: {  	p0 =	sne.s32 s10, $0x500;
	p2 =	por @!p1 p3, p3;
	_ =	swait.ge [sflag:s21], $0x4000  }
0xe6: {  	s16 =	simm.s32 @!p1 $0x300;
	s13 =	rddreg [dreg:$0x5];
	[sflag:s21] =	ssyncset.done $0x0  }
0xe7: {  	s14 =	rddreg [dreg:$0x4];
	[sflag:s21] =	ssyncadd.s32 $0xFFFFC000;
	s13 =	sadd.s32 @!p1 s11, s13  }
0xe8: {  	[tilespmem:s16], [sflag:$0x4] =	stream.linear.gather @!p1 [hbm4b:s13+s12], $0x80, $0x38;
	[tilespmem:$0x1C400] =	vst v63  }
0xe9: {  	s15 =	simm.s32 @!p1 $0x380;
	s13 =	sadd.s32 @!p1 s11, s14;
	s11 =	simm.s32 @p2 $0x2  }
0xea: {  	[tilespmem:s15], [sflag:$0x4] =	stream.linear.gather @!p1 [hbm4b:s13+s12], $0x80, $0x38;
	[tilespmem:$0x1C400] =	vst v63  }
.Ltmp1:
0xeb: {  	_ =	swait.ge @p2 [sflag:s11], $0x80;
	(pc) =	sbr.rel @p0 .LBB2_4-.Ltmp1, $4  }
0xec: {  	[sflag:s11] =	ssyncset.done @p2 $0x0  }
0xed: {  	[sflag:s11] =	ssyncadd.s32 @p2 $0xFFFFFF80  }
0xee: {  	s14 =	simm.s32 @p2 $0x100;
	_ =	swait.ge @p2 [sflag:s11], $0x80  }
0xef: {  	s12 =	simm.s32 @p2 $0x4400;
	s13 =	simm.s32 @p2 $0x80;
	[sflag:s11] =	ssyncset.done @p2 $0x0  }
0xf0: {  	[sflag:s11] =	ssyncadd.s32 @p2 $0xFFFFFF80;
	s9 =	stileid.u32;
	s3 =	sadd.s32 $0x1, s3  }
0xf1: {  	[tilespmem:s12], [sflag:$0x6] =	stream.indirect.gather @p2 [hbm4b:s4+s13], $0x80, s14, s13, $0xb8;
	[tilespmem:$0x1C400] =	vst v63  }
0xf2: {  	s10 =	sshrl.u32 s5, $0x3;
	s9 =	sshll.u32 s9, $0x6;
	p0 =	sne.s32 s3, s19  }
.Ltmp2:
0xf3: {  	[bflag:$0x0] =	sbarrier.arrive $0xFFFF;
	s9 =	sor.u32 $0x1C07, s9;
	(pc) =	sbr.rel @p0 .LBB2_1-.Ltmp2, $4  }
0xf4: {  	[hbm:s18], [sflag:s9] =	dma.local [spmem:s10], $0x2800  }
0xf5: {  	_ =	swait.ge [sflag:s21], $0x2800  }
0xf6: {  	[sflag:s21] =	ssyncset.done $0x0  }
0xf7: {  	[sflag:s21] =	ssyncadd.s32 $0xFFFFD800  }
0xf8: {  	_ =	sfence.sel $0x180000  }
0xf9: {  	[bflag:$0x0] =	sbarrier.arrive $0xFFFF  }
0xfa: {  	_ =	strace $0x90000047  }
0xfb: {  	s0 =	stileid.u32;
	[bflag:$0x2] =	sbarrier.arrive $0xFFFF  }
0xfc: {  	p0 =	sne.s32 s0, $0x0;
	s0 =	rddreg [dreg:$0x3]  }
0xfd: {  	s0 =	sadd.s32 @!p0 $0x100000, s0  }
0xfe: {  	[sflag:s0] =	ssyncadd.tile.s32 @!p0 $0x1;
	_ =	shalt  }
.Lfunc_end2:
_tile_overlayer_lowered:
.L_overlay_start_2:
0xff: {  	(tag) =	ssettag $0x2  }
0x100: {  	s0 =	rddreg [dreg:$0x0];
	s2 =	stileid.u32  }
0x101: {  	s1 =	rddreg [dreg:$0x1];
	p0 =	sne.s32 s2, $0x0  }
0x102: {  	s3 =	rddreg [dreg:$0x2];
	[bflag:$0x3] =	sbarrier.arrive $0xFFFF;
	s2 =	simm.s32 @!p0 $0x1C07  }
0x103: {  	[timem:s3], [sflag:s2] =	dma.local @!p0 [hbm:s0], s1  }
0x104: {  	s0 =	simm.s32 @!p0 $0x7  }
0x105: {  	_ =	swait.ge @!p0 [sflag:s0], s1  }
0x106: {  	s1 =	ssub.s32 @!p0 $0x0, s1;
	[sflag:s0] =	ssyncset.done @!p0 $0x0  }
0x107: {  	[sflag:s0] =	ssyncadd.s32 @!p0 s1  }
0x108: {  	[bflag:$0x3] =	sbarrier.arrive $0xFFFF  }
0x109: {  	_ =	shalt  }

</sc_bundles>
